<compile_context>
chip_gen: v7x
topology: tpu7x:2x2x1
jax: 0.10.2.dev20260603
libtpu: 0.0.44.dev20260713+nightly
codegen_flags: <defaults>
</compile_context>

<pallas_src>
import functools

import jax
import jax.numpy as jnp
from jax import lax
from jax.experimental import pallas as pl
from jax.experimental.pallas import tpu as pltpu
from jax.experimental.pallas import tpu_sc as plsc

HID = 64
NG = 128
N_PAD = 10240
BM = 1024
CHUNK = 128
NSUB = 16
NCORE = 2

_F32 = jnp.float32
_HI = lax.Precision.HIGHEST
_DEF = lax.Precision.DEFAULT


def _sc_segment_sum(table_r, idx, dst, feat, fch):
    nchf = feat // fch
    chunks_per_core = nchf // NCORE
    e_pad = dst.shape[0]
    edges_per_w = e_pad // NSUB
    nchunk = edges_per_w // CHUNK
    rows_per_sub = N_PAD // NSUB
    mesh = plsc.VectorSubcoreMesh(core_axis_name="c", subcore_axis_name="s")

    @functools.partial(
        pl.kernel,
        out_type=jax.ShapeDtypeStruct((N_PAD, feat), _F32),
        mesh=mesh,
        scratch_types=[
            pltpu.VMEM((CHUNK,), jnp.int32),
            pltpu.VMEM((CHUNK,), jnp.int32),
            pltpu.VMEM((CHUNK, fch), _F32),
            pltpu.VMEM((CHUNK, fch), _F32),
            pltpu.VMEM_SHARED((N_PAD, fch), _F32),
        ],
        compiler_params=pltpu.CompilerParams(use_tc_tiling_on_sc=False),
    )
    def seg_kernel(table_hbm, idx_hbm, dst_hbm, out_hbm,
                   src_v, dst_v, rows_v, zero_v, acc_sh):
        c = lax.axis_index("c")
        s = lax.axis_index("s")
        row0 = s * rows_per_sub

        @pl.loop(0, CHUNK)
        def _(r):
            @pl.loop(0, fch, step=16)
            def _(col):
                zero_v[r, pl.ds(col, 16)] = jnp.zeros((16,), _F32)

        for k in range(chunks_per_core):
            cc = c * chunks_per_core + k
            @pl.loop(0, rows_per_sub // CHUNK)
            def _(z):
                pltpu.sync_copy(zero_v,
                                acc_sh.at[pl.ds(row0 + z * CHUNK, CHUNK)])
            plsc.subcore_barrier()

            base = s * edges_per_w

            @pl.loop(0, nchunk)
            def _(j):
                off = base + j * CHUNK
                pltpu.sync_copy(idx_hbm.at[cc].at[pl.ds(off, CHUNK)], src_v)
                pltpu.sync_copy(dst_hbm.at[pl.ds(off, CHUNK)], dst_v)
                pltpu.sync_copy(table_hbm.at[src_v], rows_v)
                pltpu.sync_copy(rows_v, acc_sh.at[dst_v], add=True)

            plsc.subcore_barrier()
            pltpu.sync_copy(acc_sh.at[pl.ds(row0, rows_per_sub)],
                            out_hbm.at[pl.ds(row0, rows_per_sub),
                                       pl.ds(cc * fch, fch)])
            plsc.subcore_barrier()

    return seg_kernel(table_r, idx, dst)


def _tc_gin_layer(x, agg, P, Wa, Wb, n_real, out_width):
    K = Wa.shape[0]

    def body(x_ref, a_ref, P_ref, wa_ref, wb_ref, o_ref):
        i = pl.program_id(0)
        Pm = P_ref[...]
        h = jnp.dot(x_ref[...] + a_ref[...], wa_ref[...],
                    preferred_element_type=_F32, precision=_DEF) + Pm[0]
        h = (h - Pm[3]) / jnp.sqrt(Pm[4] + 1e-5) * Pm[1] + Pm[2]
        h = jnp.maximum(h, 0.0)
        o = jnp.dot(h, wb_ref[...], preferred_element_type=_F32,
                    precision=_DEF) + Pm[5]
        o = jnp.maximum(o, 0.0)
        rows = i * BM + lax.broadcasted_iota(jnp.int32, (BM, 1), 0)
        o_ref[...] = jnp.where(rows < n_real, o, 0.0)

    return pl.pallas_call(
        body,
        grid=(N_PAD // BM,),
        in_specs=[pl.BlockSpec((BM, K), lambda i: (i, 0)),
                  pl.BlockSpec((BM, K), lambda i: (i, 0)),
                  pl.BlockSpec((8, HID), lambda i: (0, 0)),
                  pl.BlockSpec((K, HID), lambda i: (0, 0)),
                  pl.BlockSpec((HID, out_width), lambda i: (0, 0))],
        out_specs=pl.BlockSpec((BM, out_width), lambda i: (i, 0)),
        out_shape=jax.ShapeDtypeStruct((N_PAD, out_width), _F32),
        compiler_params=pltpu.CompilerParams(
            dimension_semantics=("parallel",)),
    )(x, agg, P, Wa, Wb)


def _tc_layer2_pool(x1, agg2, P, Wa, Wb, batch3d, Wl, bl2):
    grid = N_PAD // BM

    def body(x1_ref, a_ref, P_ref, wa_ref, wb_ref, b_ref, wl_ref, bl_ref,
             out_ref, pool_acc):
        i = pl.program_id(0)
        Pm = P_ref[...]
        h = jnp.dot(x1_ref[...] + a_ref[...], wa_ref[...],
                    preferred_element_type=_F32, precision=_DEF) + Pm[0]
        h = (h - Pm[3]) / jnp.sqrt(Pm[4] + 1e-5) * Pm[1] + Pm[2]
        h = jnp.maximum(h, 0.0)
        x2 = jnp.dot(h, wb_ref[...], preferred_element_type=_F32,
                     precision=_DEF) + Pm[5]
        x2 = jnp.maximum(x2, 0.0)
        xjk = jnp.concatenate([x1_ref[...], x2], axis=1)
        bids = b_ref[0, 0, :]
        oh = (bids[:, None] ==
              lax.broadcasted_iota(jnp.int32, (BM, NG), 1)).astype(_F32)
        contrib = lax.dot_general(oh, xjk, (((0,), (0,)), ((), ())),
                                  precision=_HI,
                                  preferred_element_type=_F32)

        @pl.when(i == 0)
        def _():
            pool_acc[...] = jnp.zeros((NG, 2 * HID), _F32)

        pool_acc[...] += contrib

        @pl.when(i == grid - 1)
        def _():
            out_ref[...] = jnp.dot(pool_acc[...], wl_ref[...],
                                   preferred_element_type=_F32,
                                   precision=_DEF) + bl_ref[...]

    blk = pl.BlockSpec((BM, HID), lambda i: (i, 0))
    return pl.pallas_call(
        body,
        grid=(grid,),
        in_specs=[blk, blk,
                  pl.BlockSpec((8, HID), lambda i: (0, 0)),
                  pl.BlockSpec((HID, HID), lambda i: (0, 0)),
                  pl.BlockSpec((HID, HID), lambda i: (0, 0)),
                  pl.BlockSpec((1, 1, BM), lambda i: (i, 0, 0)),
                  pl.BlockSpec((2 * HID, 2), lambda i: (0, 0)),
                  pl.BlockSpec((1, 2), lambda i: (0, 0))],
        out_specs=pl.BlockSpec((NG, 2), lambda i: (0, 0)),
        out_shape=jax.ShapeDtypeStruct((NG, 2), _F32),
        scratch_shapes=[pltpu.VMEM((NG, 2 * HID), _F32)],
    )(x1, agg2, P, Wa, Wb, batch3d, Wl, bl2)


def _chunk_indices(src_pad, nchf):
    return (src_pad[None, :] * nchf
            + jnp.arange(nchf, dtype=jnp.int32)[:, None])


def kernel(x, edge_index, batch,
           W1a, b1a, g1, be1, m1, v1, W1b, b1b,
           W2a, b2a, g2, be2, m2, v2, W2b, b2b,
           Wl, bl):
    n = x.shape[0]
    feat = x.shape[1]
    e = edge_index.shape[1]
    src = edge_index[0].astype(jnp.int32)
    dst = edge_index[1].astype(jnp.int32)
    unit = CHUNK * NSUB
    e_pad = ((e + unit - 1) // unit) * unit
    src_pad = jnp.concatenate([src, jnp.zeros((e_pad - e,), jnp.int32)])
    dst_pad = jnp.concatenate([dst, jnp.full((e_pad - e,), n, jnp.int32)])
    batch_pad = jnp.concatenate(
        [batch.astype(jnp.int32), jnp.full((N_PAD - n,), NG, jnp.int32)]
    ).reshape(N_PAD // BM, 1, BM)
    zpad = jnp.zeros((2, HID), _F32)
    P1 = jnp.concatenate([jnp.stack([b1a, g1, be1, m1, v1, b1b]), zpad])
    P2 = jnp.concatenate([jnp.stack([b2a, g2, be2, m2, v2, b2b]), zpad])

    fch1 = feat // 6
    x_r = x.reshape(n * 6, fch1)
    agg1 = _sc_segment_sum(x_r, _chunk_indices(src_pad, 6), dst_pad,
                           feat, fch1)
    x1 = _tc_gin_layer(x, agg1, P1, W1a, W1b, n, HID)

    fch2 = HID // 2
    x1_r = x1.reshape(N_PAD * 2, fch2)
    agg2 = _sc_segment_sum(x1_r, _chunk_indices(src_pad, 2), dst_pad,
                           HID, fch2)
    return _tc_layer2_pool(x1, agg2, P2, W2a, W2b, batch_pad,
                           Wl, bl.reshape(1, 2))

# --- scband reference (transcript-rebuilt; emitter-appended) ---
"""Pipeline reference for scband-flaky-greedy-gin-41686952575391 (READ-ONLY COPY).

The authoritative reference and input builder live on the scoring server;
editing this copy changes nothing except your own understanding.
"""

import jax, jax.numpy as jnp
import numpy as np

HID = 64
NUM_GRAPHS = 128

def _bn_eval(h, gamma, beta, mean, var):
    return (h - mean) / jnp.sqrt(var + 1e-5) * gamma + beta

def _mlp(h, Wa, ba, gamma, beta, mean, var, Wb, bb):
    h = h @ Wa + ba
    h = _bn_eval(h, gamma, beta, mean, var)
    h = jax.nn.relu(h)
    return h @ Wb + bb

def _gin_conv(x, src, dst, Wa, ba, gamma, beta, mean, var, Wb, bb):
    # GINConv with eps=0: mlp((1+eps)*x + sum_{j in N(i)} x_j)
    agg = jax.ops.segment_sum(x[src], dst, num_segments=x.shape[0])
    return _mlp(x + agg, Wa, ba, gamma, beta, mean, var, Wb, bb)

def setup_inputs(seed: int = 0) -> dict:
    key = jax.random.key(seed)
    ks = jax.random.split(key, 12)
    N, E = 10000, 160000
    x = jax.random.normal(ks[0], (N, 768), dtype=jnp.float32)
    edge_index = jax.random.randint(ks[1], (2, E), 0, N, dtype=jnp.int64)
    batch = jnp.sort(jax.random.randint(ks[2], (N,), 0, NUM_GRAPHS, dtype=jnp.int64))
    def lin(k, fi, fo):
        bound = 1.0 / np.sqrt(fi)
        k1, k2 = jax.random.split(k)
        W = jax.random.uniform(k1, (fi, fo), minval=-bound, maxval=bound, dtype=jnp.float32)
        b = jax.random.uniform(k2, (fo,), minval=-bound, maxval=bound, dtype=jnp.float32)
        return W, b
    W1a, b1a = lin(ks[3], 768, HID)
    W1b, b1b = lin(ks[4], HID, HID)
    W2a, b2a = lin(ks[5], HID, HID)
    W2b, b2b = lin(ks[6], HID, HID)
    Wl, bl = lin(ks[7], HID * 2, 2)
    g1 = jnp.ones((HID,), jnp.float32); be1 = jnp.zeros((HID,), jnp.float32)
    m1 = jnp.zeros((HID,), jnp.float32); v1 = jnp.ones((HID,), jnp.float32)
    g2 = jnp.ones((HID,), jnp.float32); be2 = jnp.zeros((HID,), jnp.float32)
    m2 = jnp.zeros((HID,), jnp.float32); v2 = jnp.ones((HID,), jnp.float32)
    return {"x": x, "edge_index": edge_index, "batch": batch,
            "W1a": W1a, "b1a": b1a, "g1": g1, "be1": be1, "m1": m1, "v1": v1,
            "W1b": W1b, "b1b": b1b,
            "W2a": W2a, "b2a": b2a, "g2": g2, "be2": be2, "m2": m2, "v2": v2,
            "W2b": W2b, "b2b": b2b, "Wl": Wl, "bl": bl}

def reference(x, edge_index, batch,
              W1a, b1a, g1, be1, m1, v1, W1b, b1b,
              W2a, b2a, g2, be2, m2, v2, W2b, b2b,
              Wl, bl):
    # eval mode: dropout_edge and F.dropout are identity; BatchNorm uses running stats
    src, dst = edge_index[0], edge_index[1]
    x1 = _gin_conv(x, src, dst, W1a, b1a, g1, be1, m1, v1, W1b, b1b)
    x1 = jax.nn.relu(x1)
    x2 = _gin_conv(x1, src, dst, W2a, b2a, g2, be2, m2, v2, W2b, b2b)
    x2 = jax.nn.relu(x2)
    x_jk = jnp.concatenate([x1, x2], axis=-1)
    x_pool = jax.ops.segment_sum(x_jk, batch, num_segments=NUM_GRAPHS)
    out = x_pool @ Wl + bl
    return out

if __name__ == "__main__":
    import jax
    _d = setup_inputs()
    print(jax.jit(kernel)(*tuple(_d.values())))

</pallas_src>

<mosaic_0001>
#map = affine_map<(d0, d1) -> (0, 0)>
#map1 = affine_map<(d0, d1) -> (0)>
module attributes {stable_mosaic.version = 14 : i64} {
  func.func @seg_kernel(%arg0: i32, %arg1: i32, %arg2: memref<20480x32xf32, #tpu.memory_space<hbm>>, %arg3: memref<2x161792xi32, #tpu.memory_space<hbm>>, %arg4: memref<161792xi32, #tpu.memory_space<hbm>>, %arg5: memref<10240x64xf32, #tpu.memory_space<hbm>>, %arg6: memref<128xi32, #tpu.memory_space<vmem>>, %arg7: memref<128xi32, #tpu.memory_space<vmem>>, %arg8: memref<128x32xf32, #tpu.memory_space<vmem>>, %arg9: memref<128x32xf32, #tpu.memory_space<vmem>>, %arg10: memref<10240x32xf32, #tpu.memory_space<vmem_shared>>) attributes {dimension_semantics = [#tpu.dimension_semantics<core_parallel>, #tpu.dimension_semantics<subcore_parallel>], iteration_bounds = array<i64: 2, 16>, scalar_prefetch = 0 : i64, scratch_operands = 5 : i64, tpu.core_type = #tpu.core_type<sc_vector_subcore>, window_params = [{transform_indices = #map}, {transform_indices = #map}, {transform_indices = #map1}, {transform_indices = #map}]} {
    %mul3A = arith.constant 640 : i32
    %mul3A_0 = arith.muli %arg1, %mul3A : i32
    %scan3A = arith.constant 0 : i32
    %scan3A_1 = arith.constant 128 : i32
    %scan3A_2 = arith.addi %scan3A, %scan3A_1 : i32
    %scan3A_3 = arith.constant 1 : i32
    scf.for %scan3A_24 = %scan3A to %scan3A_2 step %scan3A_3  : i32 {
      %mul3A_25 = arith.constant 1 : i32
      %mul3A_26 = arith.muli %scan3A_24, %mul3A_25 : i32
      %add3A_27 = arith.constant 0 : i32
      %add3A_28 = arith.addi %add3A_27, %mul3A_26 : i32
      %scan3A_29 = arith.constant 0 : i32
      %scan3A_30 = arith.constant 2 : i32
      %scan3A_31 = arith.addi %scan3A_29, %scan3A_30 : i32
      %scan3A_32 = arith.constant 1 : i32
      scf.for %scan3A_34 = %scan3A_29 to %scan3A_31 step %scan3A_32  : i32 {
        %mul3A_35 = arith.constant 16 : i32
        %mul3A_36 = arith.muli %scan3A_34, %mul3A_35 : i32
        %add3A_37 = arith.constant 0 : i32
        %add3A_38 = arith.addi %add3A_37, %mul3A_36 : i32
        %broadcast_in_dim3A = arith.constant 0.000000e+00 : f32
        %broadcast_in_dim3A_39 = vector.broadcast %broadcast_in_dim3A : f32 to vector<16xf32>
        %swap3A = arith.index_cast %add3A_28 : i32 to index
        %swap3A_40 = arith.index_cast %add3A_38 : i32 to index
        %swap3A_41 = tpu.vector_load %arg9[%swap3A, %swap3A_40] {strides = array<i32>} : memref<128x32xf32, #tpu.memory_space<vmem>>, vector<1x16xf32>,
        %swap3A_42 = vector.shape_cast %swap3A_41 : vector<1x16xf32> to vector<16xf32>
        %swap3A_43 = vector.shape_cast %broadcast_in_dim3A_39 : vector<16xf32> to vector<1x16xf32>
        tpu.vector_store %arg9[%swap3A, %swap3A_40], %swap3A_43 {strides = array<i32>} : memref<128x32xf32, #tpu.memory_space<vmem>>, vector<1x16xf32>,
      }
      %scan3A_33 = arith.constant 2 : i32
    }
    %scan3A_4 = arith.constant 128 : i32
    %mul3A_5 = arith.constant 1 : i32
    %mul3A_6 = arith.muli %arg0, %mul3A_5 : i32
    %add3A = arith.constant 0 : i32
    %add3A_7 = arith.addi %mul3A_6, %add3A : i32
    %scan3A_8 = arith.constant 0 : i32
    %scan3A_9 = arith.constant 5 : i32
    %scan3A_10 = arith.addi %scan3A_8, %scan3A_9 : i32
    %scan3A_11 = arith.constant 1 : i32
    scf.for %scan3A_24 = %scan3A_8 to %scan3A_10 step %scan3A_11  : i32 {
      %mul3A_25 = arith.constant 1 : i32
      %mul3A_26 = arith.muli %scan3A_24, %mul3A_25 : i32
      %add3A_27 = arith.constant 0 : i32
      %add3A_28 = arith.addi %add3A_27, %mul3A_26 : i32
      %mul3A_29 = arith.constant 128 : i32
      %mul3A_30 = arith.muli %add3A_28, %mul3A_29 : i32
      %add3A_31 = arith.addi %mul3A_0, %mul3A_30 : i32
      "tpu.region"() ({
        %run_scoped3A = tpu.sem_alloc : memref<!tpu.dma_semaphore, #tpu.memory_space<semaphore_mem>>
        %dma_start3A = arith.constant 0 : i32
        %dma_start3A_32 = tpu.memref_slice %arg10[%add3A_31, %dma_start3A] : memref<10240x32xf32, #tpu.memory_space<vmem_shared>> -> memref<128x32xf32, #tpu.memory_space<vmem_shared>>
        %dma_start3A_33 = arith.constant 0 : i32
        %dma_start3A_34 = tpu.memref_slice %arg10[%add3A_31, %dma_start3A_33] : memref<10240x32xf32, #tpu.memory_space<vmem_shared>> -> memref<128x32xf32, #tpu.memory_space<vmem_shared>>
        tpu.enqueue_dma source(%arg9 : memref<128x32xf32, #tpu.memory_space<vmem>>) target(%dma_start3A_34 : memref<128x32xf32, #tpu.memory_space<vmem_shared>>) target_semaphore(%run_scoped3A : memref<!tpu.dma_semaphore, #tpu.memory_space<semaphore_mem>>)
        %dma_wait3A = arith.constant 0 : i32
        %dma_wait3A_35 = tpu.memref_slice %arg10[%add3A_31, %dma_wait3A] : memref<10240x32xf32, #tpu.memory_space<vmem_shared>> -> memref<128x32xf32, #tpu.memory_space<vmem_shared>>
        %dma_wait3A_36 = arith.constant 0 : i32
        %dma_wait3A_37 = tpu.memref_slice %arg10[%add3A_31, %dma_wait3A_36] : memref<10240x32xf32, #tpu.memory_space<vmem_shared>> -> memref<128x32xf32, #tpu.memory_space<vmem_shared>>
        tpu.wait_dma2 semaphore(%run_scoped3A : memref<!tpu.dma_semaphore, #tpu.memory_space<semaphore_mem>>) src(%arg9 : memref<128x32xf32, #tpu.memory_space<vmem>>) dst(%dma_wait3A_37 : memref<128x32xf32, #tpu.memory_space<vmem_shared>>)
        tpu.yield
      }) : () -> ()
    }
    %scan3A_12 = arith.constant 5 : i32
    %barrier3A = arith.constant 0 : index
    tpu.barrier barrier_id(%barrier3A)
    %mul3A_13 = arith.constant 10112 : i32
    %mul3A_14 = arith.muli %arg1, %mul3A_13 : i32
    %scan3A_15 = arith.constant 0 : i32
    %scan3A_16 = arith.constant 79 : i32
    %scan3A_17 = arith.addi %scan3A_15, %scan3A_16 : i32
    %scan3A_18 = arith.constant 1 : i32
    scf.for %scan3A_24 = %scan3A_15 to %scan3A_17 step %scan3A_18  : i32 {
      %mul3A_25 = arith.constant 1 : i32
      %mul3A_26 = arith.muli %scan3A_24, %mul3A_25 : i32
      %add3A_27 = arith.constant 0 : i32
      %add3A_28 = arith.addi %add3A_27, %mul3A_26 : i32
      %mul3A_29 = arith.constant 128 : i32
      %mul3A_30 = arith.muli %add3A_28, %mul3A_29 : i32
      %add3A_31 = arith.addi %mul3A_14, %mul3A_30 : i32
      "tpu.region"() ({
        %run_scoped3A = tpu.sem_alloc : memref<!tpu.dma_semaphore, #tpu.memory_space<semaphore_mem>>
        %dma_start3A = arith.constant 0 : i32
        %dma_start3A_32 = tpu.memref_slice %arg3[%add3A_7, %dma_start3A] : memref<2x161792xi32, #tpu.memory_space<hbm>> -> memref<1x161792xi32, #tpu.memory_space<hbm>>
        %dma_start3A_33 = tpu.memref_squeeze %dma_start3A_32 : memref<1x161792xi32, #tpu.memory_space<hbm>> -> memref<161792xi32, #tpu.memory_space<hbm>>
        %dma_start3A_34 = tpu.memref_slice %dma_start3A_33[%add3A_31] : memref<161792xi32, #tpu.memory_space<hbm>> -> memref<128xi32, #tpu.memory_space<hbm>>
        %dma_start3A_35 = arith.constant 0 : i32
        %dma_start3A_36 = tpu.memref_slice %arg3[%add3A_7, %dma_start3A_35] : memref<2x161792xi32, #tpu.memory_space<hbm>> -> memref<1x161792xi32, #tpu.memory_space<hbm>>
        %dma_start3A_37 = tpu.memref_squeeze %dma_start3A_36 : memref<1x161792xi32, #tpu.memory_space<hbm>> -> memref<161792xi32, #tpu.memory_space<hbm>>
        %dma_start3A_38 = tpu.memref_slice %dma_start3A_37[%add3A_31] : memref<161792xi32, #tpu.memory_space<hbm>> -> memref<128xi32, #tpu.memory_space<hbm>>
        tpu.enqueue_dma source(%dma_start3A_38 : memref<128xi32, #tpu.memory_space<hbm>>) target(%arg6 : memref<128xi32, #tpu.memory_space<vmem>>) target_semaphore(%run_scoped3A : memref<!tpu.dma_semaphore, #tpu.memory_space<semaphore_mem>>)
        %dma_wait3A = arith.constant 0 : i32
        %dma_wait3A_39 = tpu.memref_slice %arg3[%add3A_7, %dma_wait3A] : memref<2x161792xi32, #tpu.memory_space<hbm>> -> memref<1x161792xi32, #tpu.memory_space<hbm>>
        %dma_wait3A_40 = tpu.memref_squeeze %dma_wait3A_39 : memref<1x161792xi32, #tpu.memory_space<hbm>> -> memref<161792xi32, #tpu.memory_space<hbm>>
        %dma_wait3A_41 = tpu.memref_slice %dma_wait3A_40[%add3A_31] : memref<161792xi32, #tpu.memory_space<hbm>> -> memref<128xi32, #tpu.memory_space<hbm>>
        %dma_wait3A_42 = arith.constant 0 : i32
        %dma_wait3A_43 = tpu.memref_slice %arg3[%add3A_7, %dma_wait3A_42] : memref<2x161792xi32, #tpu.memory_space<hbm>> -> memref<1x161792xi32, #tpu.memory_space<hbm>>
        %dma_wait3A_44 = tpu.memref_squeeze %dma_wait3A_43 : memref<1x161792xi32, #tpu.memory_space<hbm>> -> memref<161792xi32, #tpu.memory_space<hbm>>
        %dma_wait3A_45 = tpu.memref_slice %dma_wait3A_44[%add3A_31] : memref<161792xi32, #tpu.memory_space<hbm>> -> memref<128xi32, #tpu.memory_space<hbm>>
        tpu.wait_dma2 semaphore(%run_scoped3A : memref<!tpu.dma_semaphore, #tpu.memory_space<semaphore_mem>>) src(%dma_wait3A_45 : memref<128xi32, #tpu.memory_space<hbm>>) dst(%arg6 : memref<128xi32, #tpu.memory_space<vmem>>)
        tpu.yield
      }) : () -> ()
      "tpu.region"() ({
        %run_scoped3A = tpu.sem_alloc : memref<!tpu.dma_semaphore, #tpu.memory_space<semaphore_mem>>
        %dma_start3A = tpu.memref_slice %arg4[%add3A_31] : memref<161792xi32, #tpu.memory_space<hbm>> -> memref<128xi32, #tpu.memory_space<hbm>>
        %dma_start3A_32 = tpu.memref_slice %arg4[%add3A_31] : memref<161792xi32, #tpu.memory_space<hbm>> -> memref<128xi32, #tpu.memory_space<hbm>>
        tpu.enqueue_dma source(%dma_start3A_32 : memref<128xi32, #tpu.memory_space<hbm>>) target(%arg7 : memref<128xi32, #tpu.memory_space<vmem>>) target_semaphore(%run_scoped3A : memref<!tpu.dma_semaphore, #tpu.memory_space<semaphore_mem>>)
        %dma_wait3A = tpu.memref_slice %arg4[%add3A_31] : memref<161792xi32, #tpu.memory_space<hbm>> -> memref<128xi32, #tpu.memory_space<hbm>>
        %dma_wait3A_33 = tpu.memref_slice %arg4[%add3A_31] : memref<161792xi32, #tpu.memory_space<hbm>> -> memref<128xi32, #tpu.memory_space<hbm>>
        tpu.wait_dma2 semaphore(%run_scoped3A : memref<!tpu.dma_semaphore, #tpu.memory_space<semaphore_mem>>) src(%dma_wait3A_33 : memref<128xi32, #tpu.memory_space<hbm>>) dst(%arg7 : memref<128xi32, #tpu.memory_space<vmem>>)
        tpu.yield
      }) : () -> ()
      "tpu.region"() ({
        %run_scoped3A = tpu.sem_alloc : memref<!tpu.dma_semaphore, #tpu.memory_space<semaphore_mem>>
        %dma_start3A = arith.constant 0 : i32
        %dma_start3A_32 = arith.constant 0 : i32
        %dma_start3A_33 = tpu.memref_slice %arg2[%dma_start3A, %dma_start3A_32] : memref<20480x32xf32, #tpu.memory_space<hbm>> -> memref<20480x32xf32, #tpu.memory_space<hbm>>
        tpu.enqueue_indirect_dma source(%dma_start3A_33 : memref<20480x32xf32, #tpu.memory_space<hbm>>) target(%arg8 : memref<128x32xf32, #tpu.memory_space<vmem>>) offsets(%arg6 : memref<128xi32, #tpu.memory_space<vmem>>) semaphore(%run_scoped3A : memref<!tpu.dma_semaphore, #tpu.memory_space<semaphore_mem>>)
        %dma_wait3A = arith.constant 0 : i32
        %dma_wait3A_34 = arith.constant 0 : i32
        %dma_wait3A_35 = tpu.memref_slice %arg2[%dma_wait3A, %dma_wait3A_34] : memref<20480x32xf32, #tpu.memory_space<hbm>> -> memref<20480x32xf32, #tpu.memory_space<hbm>>
        tpu.wait_indirect_dma semaphore(%run_scoped3A : memref<!tpu.dma_semaphore, #tpu.memory_space<semaphore_mem>>) src(%dma_wait3A_35 : memref<20480x32xf32, #tpu.memory_space<hbm>>) dst(%arg8 : memref<128x32xf32, #tpu.memory_space<vmem>>)
        tpu.yield
      }) : () -> ()
      "tpu.region"() ({
        %run_scoped3A = tpu.sem_alloc : memref<!tpu.dma_semaphore, #tpu.memory_space<semaphore_mem>>
        %dma_start3A = arith.constant 0 : i32
        %dma_start3A_32 = arith.constant 0 : i32
        %dma_start3A_33 = tpu.memref_slice %arg10[%dma_start3A, %dma_start3A_32] : memref<10240x32xf32, #tpu.memory_space<vmem_shared>> -> memref<10240x32xf32, #tpu.memory_space<vmem_shared>>
        tpu.enqueue_indirect_dma source(%arg8 : memref<128x32xf32, #tpu.memory_space<vmem>>) target(%dma_start3A_33 : memref<10240x32xf32, #tpu.memory_space<vmem_shared>>) offsets(%arg7 : memref<128xi32, #tpu.memory_space<vmem>>) semaphore(%run_scoped3A : memref<!tpu.dma_semaphore, #tpu.memory_space<semaphore_mem>>) {add = true}
        %dma_wait3A = arith.constant 0 : i32
        %dma_wait3A_34 = arith.constant 0 : i32
        %dma_wait3A_35 = tpu.memref_slice %arg10[%dma_wait3A, %dma_wait3A_34] : memref<10240x32xf32, #tpu.memory_space<vmem_shared>> -> memref<10240x32xf32, #tpu.memory_space<vmem_shared>>
        tpu.wait_indirect_dma semaphore(%run_scoped3A : memref<!tpu.dma_semaphore, #tpu.memory_space<semaphore_mem>>) src(%arg8 : memref<128x32xf32, #tpu.memory_space<vmem>>) dst(%dma_wait3A_35 : memref<10240x32xf32, #tpu.memory_space<vmem_shared>>)
        tpu.yield
      }) : () -> ()
    }
    %scan3A_19 = arith.constant 79 : i32
    %barrier3A_20 = arith.constant 0 : index
    tpu.barrier barrier_id(%barrier3A_20)
    %mul3A_21 = arith.constant 32 : i32
    %mul3A_22 = arith.muli %add3A_7, %mul3A_21 : i32
    "tpu.region"() ({
      %run_scoped3A = tpu.sem_alloc : memref<!tpu.dma_semaphore, #tpu.memory_space<semaphore_mem>>
      %dma_start3A = tpu.memref_slice %arg5[%mul3A_0, %mul3A_22] : memref<10240x64xf32, #tpu.memory_space<hbm>> -> memref<640x32xf32, #tpu.memory_space<hbm>>
      %dma_start3A_24 = arith.constant 0 : i32
      %dma_start3A_25 = tpu.memref_slice %arg10[%mul3A_0, %dma_start3A_24] : memref<10240x32xf32, #tpu.memory_space<vmem_shared>> -> memref<640x32xf32, #tpu.memory_space<vmem_shared>>
      tpu.enqueue_dma source(%dma_start3A_25 : memref<640x32xf32, #tpu.memory_space<vmem_shared>>) target(%dma_start3A : memref<640x32xf32, #tpu.memory_space<hbm>>) target_semaphore(%run_scoped3A : memref<!tpu.dma_semaphore, #tpu.memory_space<semaphore_mem>>)
      %dma_wait3A = tpu.memref_slice %arg5[%mul3A_0, %mul3A_22] : memref<10240x64xf32, #tpu.memory_space<hbm>> -> memref<640x32xf32, #tpu.memory_space<hbm>>
      %dma_wait3A_26 = arith.constant 0 : i32
      %dma_wait3A_27 = tpu.memref_slice %arg10[%mul3A_0, %dma_wait3A_26] : memref<10240x32xf32, #tpu.memory_space<vmem_shared>> -> memref<640x32xf32, #tpu.memory_space<vmem_shared>>
      tpu.wait_dma2 semaphore(%run_scoped3A : memref<!tpu.dma_semaphore, #tpu.memory_space<semaphore_mem>>) src(%dma_wait3A_27 : memref<640x32xf32, #tpu.memory_space<vmem_shared>>) dst(%dma_wait3A : memref<640x32xf32, #tpu.memory_space<hbm>>)
      tpu.yield
    }) : () -> ()
    %barrier3A_23 = arith.constant 0 : index
    tpu.barrier barrier_id(%barrier3A_23)
    return
  }
}

#map = affine_map<(d0, d1) -> (0, 0)>
#map1 = affine_map<(d0, d1) -> (0)>
module attributes {stable_mosaic.version = 14 : i64} {
  func.func @seg_kernel(%arg0: i32, %arg1: i32, %arg2: memref<60000x128xf32, #tpu.memory_space<hbm>>, %arg3: memref<6x161792xi32, #tpu.memory_space<hbm>>, %arg4: memref<161792xi32, #tpu.memory_space<hbm>>, %arg5: memref<10240x768xf32, #tpu.memory_space<hbm>>, %arg6: memref<128xi32, #tpu.memory_space<vmem>>, %arg7: memref<128xi32, #tpu.memory_space<vmem>>, %arg8: memref<128x128xf32, #tpu.memory_space<vmem>>, %arg9: memref<128x128xf32, #tpu.memory_space<vmem>>, %arg10: memref<10240x128xf32, #tpu.memory_space<vmem_shared>>) attributes {dimension_semantics = [#tpu.dimension_semantics<core_parallel>, #tpu.dimension_semantics<subcore_parallel>], iteration_bounds = array<i64: 2, 16>, scalar_prefetch = 0 : i64, scratch_operands = 5 : i64, tpu.core_type = #tpu.core_type<sc_vector_subcore>, window_params = [{transform_indices = #map}, {transform_indices = #map}, {transform_indices = #map1}, {transform_indices = #map}]} {
    %mul3A = arith.constant 640 : i32
    %mul3A_0 = arith.muli %arg1, %mul3A : i32
    %scan3A = arith.constant 0 : i32
    %scan3A_1 = arith.constant 128 : i32
    %scan3A_2 = arith.addi %scan3A, %scan3A_1 : i32
    %scan3A_3 = arith.constant 1 : i32
    scf.for %scan3A_66 = %scan3A to %scan3A_2 step %scan3A_3  : i32 {
      %mul3A_67 = arith.constant 1 : i32
      %mul3A_68 = arith.muli %scan3A_66, %mul3A_67 : i32
      %add3A_69 = arith.constant 0 : i32
      %add3A_70 = arith.addi %add3A_69, %mul3A_68 : i32
      %scan3A_71 = arith.constant 0 : i32
      %scan3A_72 = arith.constant 8 : i32
      %scan3A_73 = arith.addi %scan3A_71, %scan3A_72 : i32
      %scan3A_74 = arith.constant 1 : i32
      scf.for %scan3A_76 = %scan3A_71 to %scan3A_73 step %scan3A_74  : i32 {
        %mul3A_77 = arith.constant 16 : i32
        %mul3A_78 = arith.muli %scan3A_76, %mul3A_77 : i32
        %add3A_79 = arith.constant 0 : i32
        %add3A_80 = arith.addi %add3A_79, %mul3A_78 : i32
        %broadcast_in_dim3A = arith.constant 0.000000e+00 : f32
        %broadcast_in_dim3A_81 = vector.broadcast %broadcast_in_dim3A : f32 to vector<16xf32>
        %swap3A = arith.index_cast %add3A_70 : i32 to index
        %swap3A_82 = arith.index_cast %add3A_80 : i32 to index
        %swap3A_83 = tpu.vector_load %arg9[%swap3A, %swap3A_82] {strides = array<i32>} : memref<128x128xf32, #tpu.memory_space<vmem>>, vector<1x16xf32>,
        %swap3A_84 = vector.shape_cast %swap3A_83 : vector<1x16xf32> to vector<16xf32>
        %swap3A_85 = vector.shape_cast %broadcast_in_dim3A_81 : vector<16xf32> to vector<1x16xf32>
        tpu.vector_store %arg9[%swap3A, %swap3A_82], %swap3A_85 {strides = array<i32>} : memref<128x128xf32, #tpu.memory_space<vmem>>, vector<1x16xf32>,
      }
      %scan3A_75 = arith.constant 8 : i32
    }
    %scan3A_4 = arith.constant 128 : i32
    %mul3A_5 = arith.constant 3 : i32
    %mul3A_6 = arith.muli %arg0, %mul3A_5 : i32
    %add3A = arith.constant 0 : i32
    %add3A_7 = arith.addi %mul3A_6, %add3A : i32
    %scan3A_8 = arith.constant 0 : i32
    %scan3A_9 = arith.constant 5 : i32
    %scan3A_10 = arith.addi %scan3A_8, %scan3A_9 : i32
    %scan3A_11 = arith.constant 1 : i32
    scf.for %scan3A_66 = %scan3A_8 to %scan3A_10 step %scan3A_11  : i32 {
      %mul3A_67 = arith.constant 1 : i32
      %mul3A_68 = arith.muli %scan3A_66, %mul3A_67 : i32
      %add3A_69 = arith.constant 0 : i32
      %add3A_70 = arith.addi %add3A_69, %mul3A_68 : i32
      %mul3A_71 = arith.constant 128 : i32
      %mul3A_72 = arith.muli %add3A_70, %mul3A_71 : i32
      %add3A_73 = arith.addi %mul3A_0, %mul3A_72 : i32
      "tpu.region"() ({
        %run_scoped3A = tpu.sem_alloc : memref<!tpu.dma_semaphore, #tpu.memory_space<semaphore_mem>>
        %dma_start3A = arith.constant 0 : i32
        %dma_start3A_74 = tpu.memref_slice %arg10[%add3A_73, %dma_start3A] : memref<10240x128xf32, #tpu.memory_space<vmem_shared>> -> memref<128x128xf32, #tpu.memory_space<vmem_shared>>
        %dma_start3A_75 = arith.constant 0 : i32
        %dma_start3A_76 = tpu.memref_slice %arg10[%add3A_73, %dma_start3A_75] : memref<10240x128xf32, #tpu.memory_space<vmem_shared>> -> memref<128x128xf32, #tpu.memory_space<vmem_shared>>
        tpu.enqueue_dma source(%arg9 : memref<128x128xf32, #tpu.memory_space<vmem>>) target(%dma_start3A_76 : memref<128x128xf32, #tpu.memory_space<vmem_shared>>) target_semaphore(%run_scoped3A : memref<!tpu.dma_semaphore, #tpu.memory_space<semaphore_mem>>)
        %dma_wait3A = arith.constant 0 : i32
        %dma_wait3A_77 = tpu.memref_slice %arg10[%add3A_73, %dma_wait3A] : memref<10240x128xf32, #tpu.memory_space<vmem_shared>> -> memref<128x128xf32, #tpu.memory_space<vmem_shared>>
        %dma_wait3A_78 = arith.constant 0 : i32
        %dma_wait3A_79 = tpu.memref_slice %arg10[%add3A_73, %dma_wait3A_78] : memref<10240x128xf32, #tpu.memory_space<vmem_shared>> -> memref<128x128xf32, #tpu.memory_space<vmem_shared>>
        tpu.wait_dma2 semaphore(%run_scoped3A : memref<!tpu.dma_semaphore, #tpu.memory_space<semaphore_mem>>) src(%arg9 : memref<128x128xf32, #tpu.memory_space<vmem>>) dst(%dma_wait3A_79 : memref<128x128xf32, #tpu.memory_space<vmem_shared>>)
        tpu.yield
      }) : () -> ()
    }
    %scan3A_12 = arith.constant 5 : i32
    %barrier3A = arith.constant 0 : index
    tpu.barrier barrier_id(%barrier3A)
    %mul3A_13 = arith.constant 10112 : i32
    %mul3A_14 = arith.muli %arg1, %mul3A_13 : i32
    %scan3A_15 = arith.constant 0 : i32
    %scan3A_16 = arith.constant 79 : i32
    %scan3A_17 = arith.addi %scan3A_15, %scan3A_16 : i32
    %scan3A_18 = arith.constant 1 : i32
    scf.for %scan3A_66 = %scan3A_15 to %scan3A_17 step %scan3A_18  : i32 {
      %mul3A_67 = arith.constant 1 : i32
      %mul3A_68 = arith.muli %scan3A_66, %mul3A_67 : i32
      %add3A_69 = arith.constant 0 : i32
      %add3A_70 = arith.addi %add3A_69, %mul3A_68 : i32
      %mul3A_71 = arith.constant 128 : i32
      %mul3A_72 = arith.muli %add3A_70, %mul3A_71 : i32
      %add3A_73 = arith.addi %mul3A_14, %mul3A_72 : i32
      "tpu.region"() ({
        %run_scoped3A = tpu.sem_alloc : memref<!tpu.dma_semaphore, #tpu.memory_space<semaphore_mem>>
        %dma_start3A = arith.constant 0 : i32
        %dma_start3A_74 = tpu.memref_slice %arg3[%add3A_7, %dma_start3A] : memref<6x161792xi32, #tpu.memory_space<hbm>> -> memref<1x161792xi32, #tpu.memory_space<hbm>>
        %dma_start3A_75 = tpu.memref_squeeze %dma_start3A_74 : memref<1x161792xi32, #tpu.memory_space<hbm>> -> memref<161792xi32, #tpu.memory_space<hbm>>
        %dma_start3A_76 = tpu.memref_slice %dma_start3A_75[%add3A_73] : memref<161792xi32, #tpu.memory_space<hbm>> -> memref<128xi32, #tpu.memory_space<hbm>>
        %dma_start3A_77 = arith.constant 0 : i32
        %dma_start3A_78 = tpu.memref_slice %arg3[%add3A_7, %dma_start3A_77] : memref<6x161792xi32, #tpu.memory_space<hbm>> -> memref<1x161792xi32, #tpu.memory_space<hbm>>
        %dma_start3A_79 = tpu.memref_squeeze %dma_start3A_78 : memref<1x161792xi32, #tpu.memory_space<hbm>> -> memref<161792xi32, #tpu.memory_space<hbm>>
        %dma_start3A_80 = tpu.memref_slice %dma_start3A_79[%add3A_73] : memref<161792xi32, #tpu.memory_space<hbm>> -> memref<128xi32, #tpu.memory_space<hbm>>
        tpu.enqueue_dma source(%dma_start3A_80 : memref<128xi32, #tpu.memory_space<hbm>>) target(%arg6 : memref<128xi32, #tpu.memory_space<vmem>>) target_semaphore(%run_scoped3A : memref<!tpu.dma_semaphore, #tpu.memory_space<semaphore_mem>>)
        %dma_wait3A = arith.constant 0 : i32
        %dma_wait3A_81 = tpu.memref_slice %arg3[%add3A_7, %dma_wait3A] : memref<6x161792xi32, #tpu.memory_space<hbm>> -> memref<1x161792xi32, #tpu.memory_space<hbm>>
        %dma_wait3A_82 = tpu.memref_squeeze %dma_wait3A_81 : memref<1x161792xi32, #tpu.memory_space<hbm>> -> memref<161792xi32, #tpu.memory_space<hbm>>
        %dma_wait3A_83 = tpu.memref_slice %dma_wait3A_82[%add3A_73] : memref<161792xi32, #tpu.memory_space<hbm>> -> memref<128xi32, #tpu.memory_space<hbm>>
        %dma_wait3A_84 = arith.constant 0 : i32
        %dma_wait3A_85 = tpu.memref_slice %arg3[%add3A_7, %dma_wait3A_84] : memref<6x161792xi32, #tpu.memory_space<hbm>> -> memref<1x161792xi32, #tpu.memory_space<hbm>>
        %dma_wait3A_86 = tpu.memref_squeeze %dma_wait3A_85 : memref<1x161792xi32, #tpu.memory_space<hbm>> -> memref<161792xi32, #tpu.memory_space<hbm>>
        %dma_wait3A_87 = tpu.memref_slice %dma_wait3A_86[%add3A_73] : memref<161792xi32, #tpu.memory_space<hbm>> -> memref<128xi32, #tpu.memory_space<hbm>>
        tpu.wait_dma2 semaphore(%run_scoped3A : memref<!tpu.dma_semaphore, #tpu.memory_space<semaphore_mem>>) src(%dma_wait3A_87 : memref<128xi32, #tpu.memory_space<hbm>>) dst(%arg6 : memref<128xi32, #tpu.memory_space<vmem>>)
        tpu.yield
      }) : () -> ()
      "tpu.region"() ({
        %run_scoped3A = tpu.sem_alloc : memref<!tpu.dma_semaphore, #tpu.memory_space<semaphore_mem>>
        %dma_start3A = tpu.memref_slice %arg4[%add3A_73] : memref<161792xi32, #tpu.memory_space<hbm>> -> memref<128xi32, #tpu.memory_space<hbm>>
        %dma_start3A_74 = tpu.memref_slice %arg4[%add3A_73] : memref<161792xi32, #tpu.memory_space<hbm>> -> memref<128xi32, #tpu.memory_space<hbm>>
        tpu.enqueue_dma source(%dma_start3A_74 : memref<128xi32, #tpu.memory_space<hbm>>) target(%arg7 : memref<128xi32, #tpu.memory_space<vmem>>) target_semaphore(%run_scoped3A : memref<!tpu.dma_semaphore, #tpu.memory_space<semaphore_mem>>)
        %dma_wait3A = tpu.memref_slice %arg4[%add3A_73] : memref<161792xi32, #tpu.memory_space<hbm>> -> memref<128xi32, #tpu.memory_space<hbm>>
        %dma_wait3A_75 = tpu.memref_slice %arg4[%add3A_73] : memref<161792xi32, #tpu.memory_space<hbm>> -> memref<128xi32, #tpu.memory_space<hbm>>
        tpu.wait_dma2 semaphore(%run_scoped3A : memref<!tpu.dma_semaphore, #tpu.memory_space<semaphore_mem>>) src(%dma_wait3A_75 : memref<128xi32, #tpu.memory_space<hbm>>) dst(%arg7 : memref<128xi32, #tpu.memory_space<vmem>>)
        tpu.yield
      }) : () -> ()
      "tpu.region"() ({
        %run_scoped3A = tpu.sem_alloc : memref<!tpu.dma_semaphore, #tpu.memory_space<semaphore_mem>>
        %dma_start3A = arith.constant 0 : i32
        %dma_start3A_74 = arith.constant 0 : i32
        %dma_start3A_75 = tpu.memref_slice %arg2[%dma_start3A, %dma_start3A_74] : memref<60000x128xf32, #tpu.memory_space<hbm>> -> memref<60000x128xf32, #tpu.memory_space<hbm>>
        tpu.enqueue_indirect_dma source(%dma_start3A_75 : memref<60000x128xf32, #tpu.memory_space<hbm>>) target(%arg8 : memref<128x128xf32, #tpu.memory_space<vmem>>) offsets(%arg6 : memref<128xi32, #tpu.memory_space<vmem>>) semaphore(%run_scoped3A : memref<!tpu.dma_semaphore, #tpu.memory_space<semaphore_mem>>)
        %dma_wait3A = arith.constant 0 : i32
        %dma_wait3A_76 = arith.constant 0 : i32
        %dma_wait3A_77 = tpu.memref_slice %arg2[%dma_wait3A, %dma_wait3A_76] : memref<60000x128xf32, #tpu.memory_space<hbm>> -> memref<60000x128xf32, #tpu.memory_space<hbm>>
        tpu.wait_indirect_dma semaphore(%run_scoped3A : memref<!tpu.dma_semaphore, #tpu.memory_space<semaphore_mem>>) src(%dma_wait3A_77 : memref<60000x128xf32, #tpu.memory_space<hbm>>) dst(%arg8 : memref<128x128xf32, #tpu.memory_space<vmem>>)
        tpu.yield
      }) : () -> ()
      "tpu.region"() ({
        %run_scoped3A = tpu.sem_alloc : memref<!tpu.dma_semaphore, #tpu.memory_space<semaphore_mem>>
        %dma_start3A = arith.constant 0 : i32
        %dma_start3A_74 = arith.constant 0 : i32
        %dma_start3A_75 = tpu.memref_slice %arg10[%dma_start3A, %dma_start3A_74] : memref<10240x128xf32, #tpu.memory_space<vmem_shared>> -> memref<10240x128xf32, #tpu.memory_space<vmem_shared>>
        tpu.enqueue_indirect_dma source(%arg8 : memref<128x128xf32, #tpu.memory_space<vmem>>) target(%dma_start3A_75 : memref<10240x128xf32, #tpu.memory_space<vmem_shared>>) offsets(%arg7 : memref<128xi32, #tpu.memory_space<vmem>>) semaphore(%run_scoped3A : memref<!tpu.dma_semaphore, #tpu.memory_space<semaphore_mem>>) {add = true}
        %dma_wait3A = arith.constant 0 : i32
        %dma_wait3A_76 = arith.constant 0 : i32
        %dma_wait3A_77 = tpu.memref_slice %arg10[%dma_wait3A, %dma_wait3A_76] : memref<10240x128xf32, #tpu.memory_space<vmem_shared>> -> memref<10240x128xf32, #tpu.memory_space<vmem_shared>>
        tpu.wait_indirect_dma semaphore(%run_scoped3A : memref<!tpu.dma_semaphore, #tpu.memory_space<semaphore_mem>>) src(%arg8 : memref<128x128xf32, #tpu.memory_space<vmem>>) dst(%dma_wait3A_77 : memref<10240x128xf32, #tpu.memory_space<vmem_shared>>)
        tpu.yield
      }) : () -> ()
    }
    %scan3A_19 = arith.constant 79 : i32
    %barrier3A_20 = arith.constant 0 : index
    tpu.barrier barrier_id(%barrier3A_20)
    %mul3A_21 = arith.constant 128 : i32
    %mul3A_22 = arith.muli %add3A_7, %mul3A_21 : i32
    "tpu.region"() ({
      %run_scoped3A = tpu.sem_alloc : memref<!tpu.dma_semaphore, #tpu.memory_space<semaphore_mem>>
      %dma_start3A = tpu.memref_slice %arg5[%mul3A_0, %mul3A_22] : memref<10240x768xf32, #tpu.memory_space<hbm>> -> memref<640x128xf32, #tpu.memory_space<hbm>>
      %dma_start3A_66 = arith.constant 0 : i32
      %dma_start3A_67 = tpu.memref_slice %arg10[%mul3A_0, %dma_start3A_66] : memref<10240x128xf32, #tpu.memory_space<vmem_shared>> -> memref<640x128xf32, #tpu.memory_space<vmem_shared>>
      tpu.enqueue_dma source(%dma_start3A_67 : memref<640x128xf32, #tpu.memory_space<vmem_shared>>) target(%dma_start3A : memref<640x128xf32, #tpu.memory_space<hbm>>) target_semaphore(%run_scoped3A : memref<!tpu.dma_semaphore, #tpu.memory_space<semaphore_mem>>)
      %dma_wait3A = tpu.memref_slice %arg5[%mul3A_0, %mul3A_22] : memref<10240x768xf32, #tpu.memory_space<hbm>> -> memref<640x128xf32, #tpu.memory_space<hbm>>
      %dma_wait3A_68 = arith.constant 0 : i32
      %dma_wait3A_69 = tpu.memref_slice %arg10[%mul3A_0, %dma_wait3A_68] : memref<10240x128xf32, #tpu.memory_space<vmem_shared>> -> memref<640x128xf32, #tpu.memory_space<vmem_shared>>
      tpu.wait_dma2 semaphore(%run_scoped3A : memref<!tpu.dma_semaphore, #tpu.memory_space<semaphore_mem>>) src(%dma_wait3A_69 : memref<640x128xf32, #tpu.memory_space<vmem_shared>>) dst(%dma_wait3A : memref<640x128xf32, #tpu.memory_space<hbm>>)
      tpu.yield
    }) : () -> ()
    %barrier3A_23 = arith.constant 0 : index
    tpu.barrier barrier_id(%barrier3A_23)
    %mul3A_24 = arith.constant 3 : i32
    %mul3A_25 = arith.muli %arg0, %mul3A_24 : i32
    %add3A_26 = arith.constant 1 : i32
    %add3A_27 = arith.addi %mul3A_25, %add3A_26 : i32
    %scan3A_28 = arith.constant 0 : i32
    %scan3A_29 = arith.constant 5 : i32
    %scan3A_30 = arith.addi %scan3A_28, %scan3A_29 : i32
    %scan3A_31 = arith.constant 1 : i32
    scf.for %scan3A_66 = %scan3A_28 to %scan3A_30 step %scan3A_31  : i32 {
      %mul3A_67 = arith.constant 1 : i32
      %mul3A_68 = arith.muli %scan3A_66, %mul3A_67 : i32
      %add3A_69 = arith.constant 0 : i32
      %add3A_70 = arith.addi %add3A_69, %mul3A_68 : i32
      %mul3A_71 = arith.constant 128 : i32
      %mul3A_72 = arith.muli %add3A_70, %mul3A_71 : i32
      %add3A_73 = arith.addi %mul3A_0, %mul3A_72 : i32
      "tpu.region"() ({
        %run_scoped3A = tpu.sem_alloc : memref<!tpu.dma_semaphore, #tpu.memory_space<semaphore_mem>>
        %dma_start3A = arith.constant 0 : i32
        %dma_start3A_74 = tpu.memref_slice %arg10[%add3A_73, %dma_start3A] : memref<10240x128xf32, #tpu.memory_space<vmem_shared>> -> memref<128x128xf32, #tpu.memory_space<vmem_shared>>
        %dma_start3A_75 = arith.constant 0 : i32
        %dma_start3A_76 = tpu.memref_slice %arg10[%add3A_73, %dma_start3A_75] : memref<10240x128xf32, #tpu.memory_space<vmem_shared>> -> memref<128x128xf32, #tpu.memory_space<vmem_shared>>
        tpu.enqueue_dma source(%arg9 : memref<128x128xf32, #tpu.memory_space<vmem>>) target(%dma_start3A_76 : memref<128x128xf32, #tpu.memory_space<vmem_shared>>) target_semaphore(%run_scoped3A : memref<!tpu.dma_semaphore, #tpu.memory_space<semaphore_mem>>)
        %dma_wait3A = arith.constant 0 : i32
        %dma_wait3A_77 = tpu.memref_slice %arg10[%add3A_73, %dma_wait3A] : memref<10240x128xf32, #tpu.memory_space<vmem_shared>> -> memref<128x128xf32, #tpu.memory_space<vmem_shared>>
        %dma_wait3A_78 = arith.constant 0 : i32
        %dma_wait3A_79 = tpu.memref_slice %arg10[%add3A_73, %dma_wait3A_78] : memref<10240x128xf32, #tpu.memory_space<vmem_shared>> -> memref<128x128xf32, #tpu.memory_space<vmem_shared>>
        tpu.wait_dma2 semaphore(%run_scoped3A : memref<!tpu.dma_semaphore, #tpu.memory_space<semaphore_mem>>) src(%arg9 : memref<128x128xf32, #tpu.memory_space<vmem>>) dst(%dma_wait3A_79 : memref<128x128xf32, #tpu.memory_space<vmem_shared>>)
        tpu.yield
      }) : () -> ()
    }
    %scan3A_32 = arith.constant 5 : i32
    %barrier3A_33 = arith.constant 0 : index
    tpu.barrier barrier_id(%barrier3A_33)
    %mul3A_34 = arith.constant 10112 : i32
    %mul3A_35 = arith.muli %arg1, %mul3A_34 : i32
    %scan3A_36 = arith.constant 0 : i32
    %scan3A_37 = arith.constant 79 : i32
    %scan3A_38 = arith.addi %scan3A_36, %scan3A_37 : i32
    %scan3A_39 = arith.constant 1 : i32
    scf.for %scan3A_66 = %scan3A_36 to %scan3A_38 step %scan3A_39  : i32 {
      %mul3A_67 = arith.constant 1 : i32
      %mul3A_68 = arith.muli %scan3A_66, %mul3A_67 : i32
      %add3A_69 = arith.constant 0 : i32
      %add3A_70 = arith.addi %add3A_69, %mul3A_68 : i32
      %mul3A_71 = arith.constant 128 : i32
      %mul3A_72 = arith.muli %add3A_70, %mul3A_71 : i32
      %add3A_73 = arith.addi %mul3A_35, %mul3A_72 : i32
      "tpu.region"() ({
        %run_scoped3A = tpu.sem_alloc : memref<!tpu.dma_semaphore, #tpu.memory_space<semaphore_mem>>
        %dma_start3A = arith.constant 0 : i32
        %dma_start3A_74 = tpu.memref_slice %arg3[%add3A_27, %dma_start3A] : memref<6x161792xi32, #tpu.memory_space<hbm>> -> memref<1x161792xi32, #tpu.memory_space<hbm>>
        %dma_start3A_75 = tpu.memref_squeeze %dma_start3A_74 : memref<1x161792xi32, #tpu.memory_space<hbm>> -> memref<161792xi32, #tpu.memory_space<hbm>>
        %dma_start3A_76 = tpu.memref_slice %dma_start3A_75[%add3A_73] : memref<161792xi32, #tpu.memory_space<hbm>> -> memref<128xi32, #tpu.memory_space<hbm>>
        %dma_start3A_77 = arith.constant 0 : i32
        %dma_start3A_78 = tpu.memref_slice %arg3[%add3A_27, %dma_start3A_77] : memref<6x161792xi32, #tpu.memory_space<hbm>> -> memref<1x161792xi32, #tpu.memory_space<hbm>>
        %dma_start3A_79 = tpu.memref_squeeze %dma_start3A_78 : memref<1x161792xi32, #tpu.memory_space<hbm>> -> memref<161792xi32, #tpu.memory_space<hbm>>
        %dma_start3A_80 = tpu.memref_slice %dma_start3A_79[%add3A_73] : memref<161792xi32, #tpu.memory_space<hbm>> -> memref<128xi32, #tpu.memory_space<hbm>>
        tpu.enqueue_dma source(%dma_start3A_80 : memref<128xi32, #tpu.memory_space<hbm>>) target(%arg6 : memref<128xi32, #tpu.memory_space<vmem>>) target_semaphore(%run_scoped3A : memref<!tpu.dma_semaphore, #tpu.memory_space<semaphore_mem>>)
        %dma_wait3A = arith.constant 0 : i32
        %dma_wait3A_81 = tpu.memref_slice %arg3[%add3A_27, %dma_wait3A] : memref<6x161792xi32, #tpu.memory_space<hbm>> -> memref<1x161792xi32, #tpu.memory_space<hbm>>
        %dma_wait3A_82 = tpu.memref_squeeze %dma_wait3A_81 : memref<1x161792xi32, #tpu.memory_space<hbm>> -> memref<161792xi32, #tpu.memory_space<hbm>>
        %dma_wait3A_83 = tpu.memref_slice %dma_wait3A_82[%add3A_73] : memref<161792xi32, #tpu.memory_space<hbm>> -> memref<128xi32, #tpu.memory_space<hbm>>
        %dma_wait3A_84 = arith.constant 0 : i32
        %dma_wait3A_85 = tpu.memref_slice %arg3[%add3A_27, %dma_wait3A_84] : memref<6x161792xi32, #tpu.memory_space<hbm>> -> memref<1x161792xi32, #tpu.memory_space<hbm>>
        %dma_wait3A_86 = tpu.memref_squeeze %dma_wait3A_85 : memref<1x161792xi32, #tpu.memory_space<hbm>> -> memref<161792xi32, #tpu.memory_space<hbm>>
        %dma_wait3A_87 = tpu.memref_slice %dma_wait3A_86[%add3A_73] : memref<161792xi32, #tpu.memory_space<hbm>> -> memref<128xi32, #tpu.memory_space<hbm>>
        tpu.wait_dma2 semaphore(%run_scoped3A : memref<!tpu.dma_semaphore, #tpu.memory_space<semaphore_mem>>) src(%dma_wait3A_87 : memref<128xi32, #tpu.memory_space<hbm>>) dst(%arg6 : memref<128xi32, #tpu.memory_space<vmem>>)
        tpu.yield
      }) : () -> ()
      "tpu.region"() ({
        %run_scoped3A = tpu.sem_alloc : memref<!tpu.dma_semaphore, #tpu.memory_space<semaphore_mem>>
        %dma_start3A = tpu.memref_slice %arg4[%add3A_73] : memref<161792xi32, #tpu.memory_space<hbm>> -> memref<128xi32, #tpu.memory_space<hbm>>
        %dma_start3A_74 = tpu.memref_slice %arg4[%add3A_73] : memref<161792xi32, #tpu.memory_space<hbm>> -> memref<128xi32, #tpu.memory_space<hbm>>
        tpu.enqueue_dma source(%dma_start3A_74 : memref<128xi32, #tpu.memory_space<hbm>>) target(%arg7 : memref<128xi32, #tpu.memory_space<vmem>>) target_semaphore(%run_scoped3A : memref<!tpu.dma_semaphore, #tpu.memory_space<semaphore_mem>>)
        %dma_wait3A = tpu.memref_slice %arg4[%add3A_73] : memref<161792xi32, #tpu.memory_space<hbm>> -> memref<128xi32, #tpu.memory_space<hbm>>
        %dma_wait3A_75 = tpu.memref_slice %arg4[%add3A_73] : memref<161792xi32, #tpu.memory_space<hbm>> -> memref<128xi32, #tpu.memory_space<hbm>>
        tpu.wait_dma2 semaphore(%run_scoped3A : memref<!tpu.dma_semaphore, #tpu.memory_space<semaphore_mem>>) src(%dma_wait3A_75 : memref<128xi32, #tpu.memory_space<hbm>>) dst(%arg7 : memref<128xi32, #tpu.memory_space<vmem>>)
        tpu.yield
      }) : () -> ()
      "tpu.region"() ({
        %run_scoped3A = tpu.sem_alloc : memref<!tpu.dma_semaphore, #tpu.memory_space<semaphore_mem>>
        %dma_start3A = arith.constant 0 : i32
        %dma_start3A_74 = arith.constant 0 : i32
        %dma_start3A_75 = tpu.memref_slice %arg2[%dma_start3A, %dma_start3A_74] : memref<60000x128xf32, #tpu.memory_space<hbm>> -> memref<60000x128xf32, #tpu.memory_space<hbm>>
        tpu.enqueue_indirect_dma source(%dma_start3A_75 : memref<60000x128xf32, #tpu.memory_space<hbm>>) target(%arg8 : memref<128x128xf32, #tpu.memory_space<vmem>>) offsets(%arg6 : memref<128xi32, #tpu.memory_space<vmem>>) semaphore(%run_scoped3A : memref<!tpu.dma_semaphore, #tpu.memory_space<semaphore_mem>>)
        %dma_wait3A = arith.constant 0 : i32
        %dma_wait3A_76 = arith.constant 0 : i32
        %dma_wait3A_77 = tpu.memref_slice %arg2[%dma_wait3A, %dma_wait3A_76] : memref<60000x128xf32, #tpu.memory_space<hbm>> -> memref<60000x128xf32, #tpu.memory_space<hbm>>
        tpu.wait_indirect_dma semaphore(%run_scoped3A : memref<!tpu.dma_semaphore, #tpu.memory_space<semaphore_mem>>) src(%dma_wait3A_77 : memref<60000x128xf32, #tpu.memory_space<hbm>>) dst(%arg8 : memref<128x128xf32, #tpu.memory_space<vmem>>)
        tpu.yield
      }) : () -> ()
      "tpu.region"() ({
        %run_scoped3A = tpu.sem_alloc : memref<!tpu.dma_semaphore, #tpu.memory_space<semaphore_mem>>
        %dma_start3A = arith.constant 0 : i32
        %dma_start3A_74 = arith.constant 0 : i32
        %dma_start3A_75 = tpu.memref_slice %arg10[%dma_start3A, %dma_start3A_74] : memref<10240x128xf32, #tpu.memory_space<vmem_shared>> -> memref<10240x128xf32, #tpu.memory_space<vmem_shared>>
        tpu.enqueue_indirect_dma source(%arg8 : memref<128x128xf32, #tpu.memory_space<vmem>>) target(%dma_start3A_75 : memref<10240x128xf32, #tpu.memory_space<vmem_shared>>) offsets(%arg7 : memref<128xi32, #tpu.memory_space<vmem>>) semaphore(%run_scoped3A : memref<!tpu.dma_semaphore, #tpu.memory_space<semaphore_mem>>) {add = true}
        %dma_wait3A = arith.constant 0 : i32
        %dma_wait3A_76 = arith.constant 0 : i32
        %dma_wait3A_77 = tpu.memref_slice %arg10[%dma_wait3A, %dma_wait3A_76] : memref<10240x128xf32, #tpu.memory_space<vmem_shared>> -> memref<10240x128xf32, #tpu.memory_space<vmem_shared>>
        tpu.wait_indirect_dma semaphore(%run_scoped3A : memref<!tpu.dma_semaphore, #tpu.memory_space<semaphore_mem>>) src(%arg8 : memref<128x128xf32, #tpu.memory_space<vmem>>) dst(%dma_wait3A_77 : memref<10240x128xf32, #tpu.memory_space<vmem_shared>>)
        tpu.yield
      }) : () -> ()
    }
    %scan3A_40 = arith.constant 79 : i32
    %barrier3A_41 = arith.constant 0 : index
    tpu.barrier barrier_id(%barrier3A_41)
    %mul3A_42 = arith.constant 128 : i32
    %mul3A_43 = arith.muli %add3A_27, %mul3A_42 : i32
    "tpu.region"() ({
      %run_scoped3A = tpu.sem_alloc : memref<!tpu.dma_semaphore, #tpu.memory_space<semaphore_mem>>
      %dma_start3A = tpu.memref_slice %arg5[%mul3A_0, %mul3A_43] : memref<10240x768xf32, #tpu.memory_space<hbm>> -> memref<640x128xf32, #tpu.memory_space<hbm>>
      %dma_start3A_66 = arith.constant 0 : i32
      %dma_start3A_67 = tpu.memref_slice %arg10[%mul3A_0, %dma_start3A_66] : memref<10240x128xf32, #tpu.memory_space<vmem_shared>> -> memref<640x128xf32, #tpu.memory_space<vmem_shared>>
      tpu.enqueue_dma source(%dma_start3A_67 : memref<640x128xf32, #tpu.memory_space<vmem_shared>>) target(%dma_start3A : memref<640x128xf32, #tpu.memory_space<hbm>>) target_semaphore(%run_scoped3A : memref<!tpu.dma_semaphore, #tpu.memory_space<semaphore_mem>>)
      %dma_wait3A = tpu.memref_slice %arg5[%mul3A_0, %mul3A_43] : memref<10240x768xf32, #tpu.memory_space<hbm>> -> memref<640x128xf32, #tpu.memory_space<hbm>>
      %dma_wait3A_68 = arith.constant 0 : i32
      %dma_wait3A_69 = tpu.memref_slice %arg10[%mul3A_0, %dma_wait3A_68] : memref<10240x128xf32, #tpu.memory_space<vmem_shared>> -> memref<640x128xf32, #tpu.memory_space<vmem_shared>>
      tpu.wait_dma2 semaphore(%run_scoped3A : memref<!tpu.dma_semaphore, #tpu.memory_space<semaphore_mem>>) src(%dma_wait3A_69 : memref<640x128xf32, #tpu.memory_space<vmem_shared>>) dst(%dma_wait3A : memref<640x128xf32, #tpu.memory_space<hbm>>)
      tpu.yield
    }) : () -> ()
    %barrier3A_44 = arith.constant 0 : index
    tpu.barrier barrier_id(%barrier3A_44)
    %mul3A_45 = arith.constant 3 : i32
    %mul3A_46 = arith.muli %arg0, %mul3A_45 : i32
    %add3A_47 = arith.constant 2 : i32
    %add3A_48 = arith.addi %mul3A_46, %add3A_47 : i32
    %scan3A_49 = arith.constant 0 : i32
    %scan3A_50 = arith.constant 5 : i32
    %scan3A_51 = arith.addi %scan3A_49, %scan3A_50 : i32
    %scan3A_52 = arith.constant 1 : i32
    scf.for %scan3A_66 = %scan3A_49 to %scan3A_51 step %scan3A_52  : i32 {
      %mul3A_67 = arith.constant 1 : i32
      %mul3A_68 = arith.muli %scan3A_66, %mul3A_67 : i32
      %add3A_69 = arith.constant 0 : i32
      %add3A_70 = arith.addi %add3A_69, %mul3A_68 : i32
      %mul3A_71 = arith.constant 128 : i32
      %mul3A_72 = arith.muli %add3A_70, %mul3A_71 : i32
      %add3A_73 = arith.addi %mul3A_0, %mul3A_72 : i32
      "tpu.region"() ({
        %run_scoped3A = tpu.sem_alloc : memref<!tpu.dma_semaphore, #tpu.memory_space<semaphore_mem>>
        %dma_start3A = arith.constant 0 : i32
        %dma_start3A_74 = tpu.memref_slice %arg10[%add3A_73, %dma_start3A] : memref<10240x128xf32, #tpu.memory_space<vmem_shared>> -> memref<128x128xf32, #tpu.memory_space<vmem_shared>>
        %dma_start3A_75 = arith.constant 0 : i32
        %dma_start3A_76 = tpu.memref_slice %arg10[%add3A_73, %dma_start3A_75] : memref<10240x128xf32, #tpu.memory_space<vmem_shared>> -> memref<128x128xf32, #tpu.memory_space<vmem_shared>>
        tpu.enqueue_dma source(%arg9 : memref<128x128xf32, #tpu.memory_space<vmem>>) target(%dma_start3A_76 : memref<128x128xf32, #tpu.memory_space<vmem_shared>>) target_semaphore(%run_scoped3A : memref<!tpu.dma_semaphore, #tpu.memory_space<semaphore_mem>>)
        %dma_wait3A = arith.constant 0 : i32
        %dma_wait3A_77 = tpu.memref_slice %arg10[%add3A_73, %dma_wait3A] : memref<10240x128xf32, #tpu.memory_space<vmem_shared>> -> memref<128x128xf32, #tpu.memory_space<vmem_shared>>
        %dma_wait3A_78 = arith.constant 0 : i32
        %dma_wait3A_79 = tpu.memref_slice %arg10[%add3A_73, %dma_wait3A_78] : memref<10240x128xf32, #tpu.memory_space<vmem_shared>> -> memref<128x128xf32, #tpu.memory_space<vmem_shared>>
        tpu.wait_dma2 semaphore(%run_scoped3A : memref<!tpu.dma_semaphore, #tpu.memory_space<semaphore_mem>>) src(%arg9 : memref<128x128xf32, #tpu.memory_space<vmem>>) dst(%dma_wait3A_79 : memref<128x128xf32, #tpu.memory_space<vmem_shared>>)
        tpu.yield
      }) : () -> ()
    }
    %scan3A_53 = arith.constant 5 : i32
    %barrier3A_54 = arith.constant 0 : index
    tpu.barrier barrier_id(%barrier3A_54)
    %mul3A_55 = arith.constant 10112 : i32
    %mul3A_56 = arith.muli %arg1, %mul3A_55 : i32
    %scan3A_57 = arith.constant 0 : i32
    %scan3A_58 = arith.constant 79 : i32
    %scan3A_59 = arith.addi %scan3A_57, %scan3A_58 : i32
    %scan3A_60 = arith.constant 1 : i32
    scf.for %scan3A_66 = %scan3A_57 to %scan3A_59 step %scan3A_60  : i32 {
      %mul3A_67 = arith.constant 1 : i32
      %mul3A_68 = arith.muli %scan3A_66, %mul3A_67 : i32
      %add3A_69 = arith.constant 0 : i32
      %add3A_70 = arith.addi %add3A_69, %mul3A_68 : i32
      %mul3A_71 = arith.constant 128 : i32
      %mul3A_72 = arith.muli %add3A_70, %mul3A_71 : i32
      %add3A_73 = arith.addi %mul3A_56, %mul3A_72 : i32
      "tpu.region"() ({
        %run_scoped3A = tpu.sem_alloc : memref<!tpu.dma_semaphore, #tpu.memory_space<semaphore_mem>>
        %dma_start3A = arith.constant 0 : i32
        %dma_start3A_74 = tpu.memref_slice %arg3[%add3A_48, %dma_start3A] : memref<6x161792xi32, #tpu.memory_space<hbm>> -> memref<1x161792xi32, #tpu.memory_space<hbm>>
        %dma_start3A_75 = tpu.memref_squeeze %dma_start3A_74 : memref<1x161792xi32, #tpu.memory_space<hbm>> -> memref<161792xi32, #tpu.memory_space<hbm>>
        %dma_start3A_76 = tpu.memref_slice %dma_start3A_75[%add3A_73] : memref<161792xi32, #tpu.memory_space<hbm>> -> memref<128xi32, #tpu.memory_space<hbm>>
        %dma_start3A_77 = arith.constant 0 : i32
        %dma_start3A_78 = tpu.memref_slice %arg3[%add3A_48, %dma_start3A_77] : memref<6x161792xi32, #tpu.memory_space<hbm>> -> memref<1x161792xi32, #tpu.memory_space<hbm>>
        %dma_start3A_79 = tpu.memref_squeeze %dma_start3A_78 : memref<1x161792xi32, #tpu.memory_space<hbm>> -> memref<161792xi32, #tpu.memory_space<hbm>>
        %dma_start3A_80 = tpu.memref_slice %dma_start3A_79[%add3A_73] : memref<161792xi32, #tpu.memory_space<hbm>> -> memref<128xi32, #tpu.memory_space<hbm>>
        tpu.enqueue_dma source(%dma_start3A_80 : memref<128xi32, #tpu.memory_space<hbm>>) target(%arg6 : memref<128xi32, #tpu.memory_space<vmem>>) target_semaphore(%run_scoped3A : memref<!tpu.dma_semaphore, #tpu.memory_space<semaphore_mem>>)
        %dma_wait3A = arith.constant 0 : i32
        %dma_wait3A_81 = tpu.memref_slice %arg3[%add3A_48, %dma_wait3A] : memref<6x161792xi32, #tpu.memory_space<hbm>> -> memref<1x161792xi32, #tpu.memory_space<hbm>>
        %dma_wait3A_82 = tpu.memref_squeeze %dma_wait3A_81 : memref<1x161792xi32, #tpu.memory_space<hbm>> -> memref<161792xi32, #tpu.memory_space<hbm>>
        %dma_wait3A_83 = tpu.memref_slice %dma_wait3A_82[%add3A_73] : memref<161792xi32, #tpu.memory_space<hbm>> -> memref<128xi32, #tpu.memory_space<hbm>>
        %dma_wait3A_84 = arith.constant 0 : i32
        %dma_wait3A_85 = tpu.memref_slice %arg3[%add3A_48, %dma_wait3A_84] : memref<6x161792xi32, #tpu.memory_space<hbm>> -> memref<1x161792xi32, #tpu.memory_space<hbm>>
        %dma_wait3A_86 = tpu.memref_squeeze %dma_wait3A_85 : memref<1x161792xi32, #tpu.memory_space<hbm>> -> memref<161792xi32, #tpu.memory_space<hbm>>
        %dma_wait3A_87 = tpu.memref_slice %dma_wait3A_86[%add3A_73] : memref<161792xi32, #tpu.memory_space<hbm>> -> memref<128xi32, #tpu.memory_space<hbm>>
        tpu.wait_dma2 semaphore(%run_scoped3A : memref<!tpu.dma_semaphore, #tpu.memory_space<semaphore_mem>>) src(%dma_wait3A_87 : memref<128xi32, #tpu.memory_space<hbm>>) dst(%arg6 : memref<128xi32, #tpu.memory_space<vmem>>)
        tpu.yield
      }) : () -> ()
      "tpu.region"() ({
        %run_scoped3A = tpu.sem_alloc : memref<!tpu.dma_semaphore, #tpu.memory_space<semaphore_mem>>
        %dma_start3A = tpu.memref_slice %arg4[%add3A_73] : memref<161792xi32, #tpu.memory_space<hbm>> -> memref<128xi32, #tpu.memory_space<hbm>>
        %dma_start3A_74 = tpu.memref_slice %arg4[%add3A_73] : memref<161792xi32, #tpu.memory_space<hbm>> -> memref<128xi32, #tpu.memory_space<hbm>>
        tpu.enqueue_dma source(%dma_start3A_74 : memref<128xi32, #tpu.memory_space<hbm>>) target(%arg7 : memref<128xi32, #tpu.memory_space<vmem>>) target_semaphore(%run_scoped3A : memref<!tpu.dma_semaphore, #tpu.memory_space<semaphore_mem>>)
        %dma_wait3A = tpu.memref_slice %arg4[%add3A_73] : memref<161792xi32, #tpu.memory_space<hbm>> -> memref<128xi32, #tpu.memory_space<hbm>>
        %dma_wait3A_75 = tpu.memref_slice %arg4[%add3A_73] : memref<161792xi32, #tpu.memory_space<hbm>> -> memref<128xi32, #tpu.memory_space<hbm>>
        tpu.wait_dma2 semaphore(%run_scoped3A : memref<!tpu.dma_semaphore, #tpu.memory_space<semaphore_mem>>) src(%dma_wait3A_75 : memref<128xi32, #tpu.memory_space<hbm>>) dst(%arg7 : memref<128xi32, #tpu.memory_space<vmem>>)
        tpu.yield
      }) : () -> ()
      "tpu.region"() ({
        %run_scoped3A = tpu.sem_alloc : memref<!tpu.dma_semaphore, #tpu.memory_space<semaphore_mem>>
        %dma_start3A = arith.constant 0 : i32
        %dma_start3A_74 = arith.constant 0 : i32
        %dma_start3A_75 = tpu.memref_slice %arg2[%dma_start3A, %dma_start3A_74] : memref<60000x128xf32, #tpu.memory_space<hbm>> -> memref<60000x128xf32, #tpu.memory_space<hbm>>
        tpu.enqueue_indirect_dma source(%dma_start3A_75 : memref<60000x128xf32, #tpu.memory_space<hbm>>) target(%arg8 : memref<128x128xf32, #tpu.memory_space<vmem>>) offsets(%arg6 : memref<128xi32, #tpu.memory_space<vmem>>) semaphore(%run_scoped3A : memref<!tpu.dma_semaphore, #tpu.memory_space<semaphore_mem>>)
        %dma_wait3A = arith.constant 0 : i32
        %dma_wait3A_76 = arith.constant 0 : i32
        %dma_wait3A_77 = tpu.memref_slice %arg2[%dma_wait3A, %dma_wait3A_76] : memref<60000x128xf32, #tpu.memory_space<hbm>> -> memref<60000x128xf32, #tpu.memory_space<hbm>>
        tpu.wait_indirect_dma semaphore(%run_scoped3A : memref<!tpu.dma_semaphore, #tpu.memory_space<semaphore_mem>>) src(%dma_wait3A_77 : memref<60000x128xf32, #tpu.memory_space<hbm>>) dst(%arg8 : memref<128x128xf32, #tpu.memory_space<vmem>>)
        tpu.yield
      }) : () -> ()
      "tpu.region"() ({
        %run_scoped3A = tpu.sem_alloc : memref<!tpu.dma_semaphore, #tpu.memory_space<semaphore_mem>>
        %dma_start3A = arith.constant 0 : i32
        %dma_start3A_74 = arith.constant 0 : i32
        %dma_start3A_75 = tpu.memref_slice %arg10[%dma_start3A, %dma_start3A_74] : memref<10240x128xf32, #tpu.memory_space<vmem_shared>> -> memref<10240x128xf32, #tpu.memory_space<vmem_shared>>
        tpu.enqueue_indirect_dma source(%arg8 : memref<128x128xf32, #tpu.memory_space<vmem>>) target(%dma_start3A_75 : memref<10240x128xf32, #tpu.memory_space<vmem_shared>>) offsets(%arg7 : memref<128xi32, #tpu.memory_space<vmem>>) semaphore(%run_scoped3A : memref<!tpu.dma_semaphore, #tpu.memory_space<semaphore_mem>>) {add = true}
        %dma_wait3A = arith.constant 0 : i32
        %dma_wait3A_76 = arith.constant 0 : i32
        %dma_wait3A_77 = tpu.memref_slice %arg10[%dma_wait3A, %dma_wait3A_76] : memref<10240x128xf32, #tpu.memory_space<vmem_shared>> -> memref<10240x128xf32, #tpu.memory_space<vmem_shared>>
        tpu.wait_indirect_dma semaphore(%run_scoped3A : memref<!tpu.dma_semaphore, #tpu.memory_space<semaphore_mem>>) src(%arg8 : memref<128x128xf32, #tpu.memory_space<vmem>>) dst(%dma_wait3A_77 : memref<10240x128xf32, #tpu.memory_space<vmem_shared>>)
        tpu.yield
      }) : () -> ()
    }
    %scan3A_61 = arith.constant 79 : i32
    %barrier3A_62 = arith.constant 0 : index
    tpu.barrier barrier_id(%barrier3A_62)
    %mul3A_63 = arith.constant 128 : i32
    %mul3A_64 = arith.muli %add3A_48, %mul3A_63 : i32
    "tpu.region"() ({
      %run_scoped3A = tpu.sem_alloc : memref<!tpu.dma_semaphore, #tpu.memory_space<semaphore_mem>>
      %dma_start3A = tpu.memref_slice %arg5[%mul3A_0, %mul3A_64] : memref<10240x768xf32, #tpu.memory_space<hbm>> -> memref<640x128xf32, #tpu.memory_space<hbm>>
      %dma_start3A_66 = arith.constant 0 : i32
      %dma_start3A_67 = tpu.memref_slice %arg10[%mul3A_0, %dma_start3A_66] : memref<10240x128xf32, #tpu.memory_space<vmem_shared>> -> memref<640x128xf32, #tpu.memory_space<vmem_shared>>
      tpu.enqueue_dma source(%dma_start3A_67 : memref<640x128xf32, #tpu.memory_space<vmem_shared>>) target(%dma_start3A : memref<640x128xf32, #tpu.memory_space<hbm>>) target_semaphore(%run_scoped3A : memref<!tpu.dma_semaphore, #tpu.memory_space<semaphore_mem>>)
      %dma_wait3A = tpu.memref_slice %arg5[%mul3A_0, %mul3A_64] : memref<10240x768xf32, #tpu.memory_space<hbm>> -> memref<640x128xf32, #tpu.memory_space<hbm>>
      %dma_wait3A_68 = arith.constant 0 : i32
      %dma_wait3A_69 = tpu.memref_slice %arg10[%mul3A_0, %dma_wait3A_68] : memref<10240x128xf32, #tpu.memory_space<vmem_shared>> -> memref<640x128xf32, #tpu.memory_space<vmem_shared>>
      tpu.wait_dma2 semaphore(%run_scoped3A : memref<!tpu.dma_semaphore, #tpu.memory_space<semaphore_mem>>) src(%dma_wait3A_69 : memref<640x128xf32, #tpu.memory_space<vmem_shared>>) dst(%dma_wait3A : memref<640x128xf32, #tpu.memory_space<hbm>>)
      tpu.yield
    }) : () -> ()
    %barrier3A_65 = arith.constant 0 : index
    tpu.barrier barrier_id(%barrier3A_65)
    return
  }
}

module attributes {stable_mosaic.version = 14 : i64} {
  func.func @body(%arg0: i32, %arg1: memref<1024x768xf32, #tpu.memory_space<vmem>>, %arg2: memref<1024x768xf32, #tpu.memory_space<vmem>>, %arg3: memref<8x64xf32, #tpu.memory_space<vmem>>, %arg4: memref<768x64xf32, #tpu.memory_space<vmem>>, %arg5: memref<64x64xf32, #tpu.memory_space<vmem>>, %arg6: memref<1024x64xf32, #tpu.memory_space<vmem>>) attributes {dimension_semantics = [#tpu.dimension_semantics<parallel>], iteration_bounds = array<i64: 10>, scalar_prefetch = 0 : i64, scratch_operands = 0 : i64, tpu.core_type = #tpu.core_type<tc>, window_params = [{transform_indices = @transform_0, window_bounds = array<i64: 1024, 768>}, {transform_indices = @transform_1, window_bounds = array<i64: 1024, 768>}, {pipeline_mode = #tpu.pipeline_mode<synchronous>, transform_indices = @transform_2, window_bounds = array<i64: 8, 64>}, {pipeline_mode = #tpu.pipeline_mode<synchronous>, transform_indices = @transform_3, window_bounds = array<i64: 768, 64>}, {pipeline_mode = #tpu.pipeline_mode<synchronous>, transform_indices = @transform_4, window_bounds = array<i64: 64, 64>}, {transform_indices = @transform_5, window_bounds = array<i64: 1024, 64>}]} {
    %get3A = arith.constant 0 : index
    %get3A_0 = arith.constant 0 : index
    %get3A_1 = vector.load %arg3[%get3A, %get3A_0] : memref<8x64xf32, #tpu.memory_space<vmem>>, vector<8x64xf32>
    %get3A_2 = arith.constant 0 : index
    %get3A_3 = arith.constant 0 : index
    %get3A_4 = vector.load %arg1[%get3A_2, %get3A_3] : memref<1024x768xf32, #tpu.memory_space<vmem>>, vector<1024x768xf32>
    %get3A_5 = arith.constant 0 : index
    %get3A_6 = arith.constant 0 : index
    %get3A_7 = vector.load %arg2[%get3A_5, %get3A_6] : memref<1024x768xf32, #tpu.memory_space<vmem>>, vector<1024x768xf32>
    %add3A = arith.addf %get3A_4, %get3A_7 : vector<1024x768xf32>
    %get3A_8 = arith.constant 0 : index
    %get3A_9 = arith.constant 0 : index
    %get3A_10 = vector.load %arg4[%get3A_8, %get3A_9] : memref<768x64xf32, #tpu.memory_space<vmem>>, vector<768x64xf32>
    %dot_general3A = arith.constant dense<0.000000e+00> : vector<1024x64xf32>
    %dot_general3A_11 = tpu.matmul %add3A, %get3A_10, %dot_general3A {dimension_numbers = #tpu.dot_dimension_numbers<[1], [0], [0], [1], [0, 0, 1, 1], [], []>, transpose_lhs_hint = false} : vector<1024x768xf32>, vector<768x64xf32>, vector<1024x64xf32> -> vector<1024x64xf32>
    %slice3A = vector.extract_strided_slice %get3A_1 {offsets = [0, 0], sizes = [1, 64], strides = [1, 1]} : vector<8x64xf32> to vector<1x64xf32>
    %squeeze3A = vector.shape_cast %slice3A : vector<1x64xf32> to vector<64xf32>
    %broadcast_in_dim3A = vector.shape_cast %squeeze3A : vector<64xf32> to vector<1x64xf32>
    %add3A_12 = vector.broadcast %broadcast_in_dim3A : vector<1x64xf32> to vector<1024x64xf32>
    %add3A_13 = arith.addf %dot_general3A_11, %add3A_12 : vector<1024x64xf32>
    %slice3A_14 = vector.extract_strided_slice %get3A_1 {offsets = [3, 0], sizes = [1, 64], strides = [1, 1]} : vector<8x64xf32> to vector<1x64xf32>
    %squeeze3A_15 = vector.shape_cast %slice3A_14 : vector<1x64xf32> to vector<64xf32>
    %broadcast_in_dim3A_16 = vector.shape_cast %squeeze3A_15 : vector<64xf32> to vector<1x64xf32>
    %sub3A = vector.broadcast %broadcast_in_dim3A_16 : vector<1x64xf32> to vector<1024x64xf32>
    %sub3A_17 = arith.subf %add3A_13, %sub3A : vector<1024x64xf32>
    %slice3A_18 = vector.extract_strided_slice %get3A_1 {offsets = [4, 0], sizes = [1, 64], strides = [1, 1]} : vector<8x64xf32> to vector<1x64xf32>
    %squeeze3A_19 = vector.shape_cast %slice3A_18 : vector<1x64xf32> to vector<64xf32>
    %add3A_20 = arith.constant 9.99999974E-6 : f32
    %add3A_21 = vector.broadcast %add3A_20 : f32 to vector<64xf32>
    %add3A_22 = arith.addf %squeeze3A_19, %add3A_21 : vector<64xf32>
    %sqrt3A = math.sqrt %add3A_22 : vector<64xf32>
    %broadcast_in_dim3A_23 = vector.shape_cast %sqrt3A : vector<64xf32> to vector<1x64xf32>
    %div3A = vector.broadcast %broadcast_in_dim3A_23 : vector<1x64xf32> to vector<1024x64xf32>
    %div3A_24 = arith.divf %sub3A_17, %div3A : vector<1024x64xf32>
    %slice3A_25 = vector.extract_strided_slice %get3A_1 {offsets = [1, 0], sizes = [1, 64], strides = [1, 1]} : vector<8x64xf32> to vector<1x64xf32>
    %squeeze3A_26 = vector.shape_cast %slice3A_25 : vector<1x64xf32> to vector<64xf32>
    %broadcast_in_dim3A_27 = vector.shape_cast %squeeze3A_26 : vector<64xf32> to vector<1x64xf32>
    %mul3A = vector.broadcast %broadcast_in_dim3A_27 : vector<1x64xf32> to vector<1024x64xf32>
    %mul3A_28 = arith.mulf %div3A_24, %mul3A : vector<1024x64xf32>
    %slice3A_29 = vector.extract_strided_slice %get3A_1 {offsets = [2, 0], sizes = [1, 64], strides = [1, 1]} : vector<8x64xf32> to vector<1x64xf32>
    %squeeze3A_30 = vector.shape_cast %slice3A_29 : vector<1x64xf32> to vector<64xf32>
    %broadcast_in_dim3A_31 = vector.shape_cast %squeeze3A_30 : vector<64xf32> to vector<1x64xf32>
    %add3A_32 = vector.broadcast %broadcast_in_dim3A_31 : vector<1x64xf32> to vector<1024x64xf32>
    %add3A_33 = arith.addf %mul3A_28, %add3A_32 : vector<1024x64xf32>
    %max3A = arith.constant 0.000000e+00 : f32
    %max3A_34 = vector.broadcast %max3A : f32 to vector<1024x64xf32>
    %max3A_35 = arith.maximumf %add3A_33, %max3A_34 : vector<1024x64xf32>
    %get3A_36 = arith.constant 0 : index
    %get3A_37 = arith.constant 0 : index
    %get3A_38 = vector.load %arg5[%get3A_36, %get3A_37] : memref<64x64xf32, #tpu.memory_space<vmem>>, vector<64x64xf32>
    %dot_general3A_39 = arith.constant dense<0.000000e+00> : vector<1024x64xf32>
    %dot_general3A_40 = tpu.matmul %max3A_35, %get3A_38, %dot_general3A_39 {dimension_numbers = #tpu.dot_dimension_numbers<[1], [0], [0], [1], [0, 0, 1, 1], [], []>, transpose_lhs_hint = false} : vector<1024x64xf32>, vector<64x64xf32>, vector<1024x64xf32> -> vector<1024x64xf32>
    %slice3A_41 = vector.extract_strided_slice %get3A_1 {offsets = [5, 0], sizes = [1, 64], strides = [1, 1]} : vector<8x64xf32> to vector<1x64xf32>
    %squeeze3A_42 = vector.shape_cast %slice3A_41 : vector<1x64xf32> to vector<64xf32>
    %broadcast_in_dim3A_43 = vector.shape_cast %squeeze3A_42 : vector<64xf32> to vector<1x64xf32>
    %add3A_44 = vector.broadcast %broadcast_in_dim3A_43 : vector<1x64xf32> to vector<1024x64xf32>
    %add3A_45 = arith.addf %dot_general3A_40, %add3A_44 : vector<1024x64xf32>
    %max3A_46 = arith.constant 0.000000e+00 : f32
    %max3A_47 = vector.broadcast %max3A_46 : f32 to vector<1024x64xf32>
    %max3A_48 = arith.maximumf %add3A_45, %max3A_47 : vector<1024x64xf32>
    %mul3A_49 = arith.constant 1024 : i32
    %mul3A_50 = arith.muli %arg0, %mul3A_49 : i32
    %iota3A = tpu.iota {dimensions = array<i32: 0>} : vector<1024x1xi32>
    %add3A_51 = vector.broadcast %mul3A_50 : i32 to vector<1024x1xi32>
    %add3A_52 = arith.addi %add3A_51, %iota3A : vector<1024x1xi32>
    %lt3A = arith.constant 10000 : i32
    %lt3A_53 = vector.broadcast %lt3A : i32 to vector<1024x1xi32>
    %lt3A_54 = arith.cmpi slt, %add3A_52, %lt3A_53 : vector<1024x1xi32>
    %jit3A = arith.constant 0.000000e+00 : f32
    %broadcast_in_dim3A_55 = vector.shape_cast %lt3A_54 : vector<1024x1xi1> to vector<1024x1xi1>
    %broadcast_in_dim3A_56 = vector.broadcast %broadcast_in_dim3A_55 : vector<1024x1xi1> to vector<1024x64xi1>
    %broadcast_in_dim3A_57 = vector.broadcast %jit3A : f32 to vector<1024x64xf32>
    %select_n3A = arith.select %broadcast_in_dim3A_56, %max3A_48, %broadcast_in_dim3A_57 : vector<1024x64xi1>, vector<1024x64xf32>
    %swap3A = arith.constant 0 : index
    %swap3A_58 = arith.constant 0 : index
    %swap3A_59 = vector.load %arg6[%swap3A, %swap3A_58] : memref<1024x64xf32, #tpu.memory_space<vmem>>, vector<1024x64xf32>
    tpu.vector_store %arg6[%swap3A, %swap3A_58], %select_n3A {strides = array<i32>} : memref<1024x64xf32, #tpu.memory_space<vmem>>, vector<1024x64xf32>,
    return
  }
  func.func @transform_0(%arg0: i32) -> (i32, i32) {
    %c0_i32 = arith.constant 0 : i32
    %c0_i32_0 = arith.constant 0 : i32
    return %arg0, %c0_i32 : i32, i32
  }
  func.func @transform_1(%arg0: i32) -> (i32, i32) {
    %c0_i32 = arith.constant 0 : i32
    %c0_i32_0 = arith.constant 0 : i32
    return %arg0, %c0_i32 : i32, i32
  }
  func.func @transform_2(%arg0: i32) -> (i32, i32) {
    %c0_i32 = arith.constant 0 : i32
    %c0_i32_0 = arith.constant 0 : i32
    %c0_i32_1 = arith.constant 0 : i32
    return %c0_i32, %c0_i32_0 : i32, i32
  }
  func.func @transform_3(%arg0: i32) -> (i32, i32) {
    %c0_i32 = arith.constant 0 : i32
    %c0_i32_0 = arith.constant 0 : i32
    %c0_i32_1 = arith.constant 0 : i32
    return %c0_i32, %c0_i32_0 : i32, i32
  }
  func.func @transform_4(%arg0: i32) -> (i32, i32) {
    %c0_i32 = arith.constant 0 : i32
    %c0_i32_0 = arith.constant 0 : i32
    %c0_i32_1 = arith.constant 0 : i32
    return %c0_i32, %c0_i32_0 : i32, i32
  }
  func.func @transform_5(%arg0: i32) -> (i32, i32) {
    %c0_i32 = arith.constant 0 : i32
    %c0_i32_0 = arith.constant 0 : i32
    return %arg0, %c0_i32 : i32, i32
  }
}

module attributes {stable_mosaic.version = 14 : i64} {
  func.func @body(%arg0: i32, %arg1: memref<1024x64xf32, #tpu.memory_space<vmem>>, %arg2: memref<1024x64xf32, #tpu.memory_space<vmem>>, %arg3: memref<8x64xf32, #tpu.memory_space<vmem>>, %arg4: memref<64x64xf32, #tpu.memory_space<vmem>>, %arg5: memref<64x64xf32, #tpu.memory_space<vmem>>, %arg6: memref<1x1x1024xi32, #tpu.memory_space<vmem>>, %arg7: memref<128x2xf32, #tpu.memory_space<vmem>>, %arg8: memref<1x2xf32, #tpu.memory_space<vmem>>, %arg9: memref<128x2xf32, #tpu.memory_space<vmem>>, %arg10: memref<128x128xf32, #tpu.memory_space<vmem>>) attributes {dimension_semantics = [#tpu.dimension_semantics<arbitrary>], iteration_bounds = array<i64: 10>, scalar_prefetch = 0 : i64, scratch_operands = 1 : i64, tpu.core_type = #tpu.core_type<tc>, window_params = [{transform_indices = @transform_0, window_bounds = array<i64: 1024, 64>}, {transform_indices = @transform_1, window_bounds = array<i64: 1024, 64>}, {pipeline_mode = #tpu.pipeline_mode<synchronous>, transform_indices = @transform_2, window_bounds = array<i64: 8, 64>}, {pipeline_mode = #tpu.pipeline_mode<synchronous>, transform_indices = @transform_3, window_bounds = array<i64: 64, 64>}, {pipeline_mode = #tpu.pipeline_mode<synchronous>, transform_indices = @transform_4, window_bounds = array<i64: 64, 64>}, {transform_indices = @transform_5, window_bounds = array<i64: 1, 1, 1024>}, {pipeline_mode = #tpu.pipeline_mode<synchronous>, transform_indices = @transform_6, window_bounds = array<i64: 128, 2>}, {pipeline_mode = #tpu.pipeline_mode<synchronous>, transform_indices = @transform_7, window_bounds = array<i64: 1, 2>}, {pipeline_mode = #tpu.pipeline_mode<synchronous>, transform_indices = @transform_8, window_bounds = array<i64: 128, 2>}]} {
    %get3A = arith.constant 0 : index
    %get3A_0 = arith.constant 0 : index
    %get3A_1 = vector.load %arg3[%get3A, %get3A_0] : memref<8x64xf32, #tpu.memory_space<vmem>>, vector<8x64xf32>
    %get3A_2 = arith.constant 0 : index
    %get3A_3 = arith.constant 0 : index
    %get3A_4 = vector.load %arg1[%get3A_2, %get3A_3] : memref<1024x64xf32, #tpu.memory_space<vmem>>, vector<1024x64xf32>
    %get3A_5 = arith.constant 0 : index
    %get3A_6 = arith.constant 0 : index
    %get3A_7 = vector.load %arg2[%get3A_5, %get3A_6] : memref<1024x64xf32, #tpu.memory_space<vmem>>, vector<1024x64xf32>
    %add3A = arith.addf %get3A_4, %get3A_7 : vector<1024x64xf32>
    %get3A_8 = arith.constant 0 : index
    %get3A_9 = arith.constant 0 : index
    %get3A_10 = vector.load %arg4[%get3A_8, %get3A_9] : memref<64x64xf32, #tpu.memory_space<vmem>>, vector<64x64xf32>
    %dot_general3A = arith.constant dense<0.000000e+00> : vector<1024x64xf32>
    %dot_general3A_11 = tpu.matmul %add3A, %get3A_10, %dot_general3A {dimension_numbers = #tpu.dot_dimension_numbers<[1], [0], [0], [1], [0, 0, 1, 1], [], []>, transpose_lhs_hint = false} : vector<1024x64xf32>, vector<64x64xf32>, vector<1024x64xf32> -> vector<1024x64xf32>
    %slice3A = vector.extract_strided_slice %get3A_1 {offsets = [0, 0], sizes = [1, 64], strides = [1, 1]} : vector<8x64xf32> to vector<1x64xf32>
    %squeeze3A = vector.shape_cast %slice3A : vector<1x64xf32> to vector<64xf32>
    %broadcast_in_dim3A = vector.shape_cast %squeeze3A : vector<64xf32> to vector<1x64xf32>
    %add3A_12 = vector.broadcast %broadcast_in_dim3A : vector<1x64xf32> to vector<1024x64xf32>
    %add3A_13 = arith.addf %dot_general3A_11, %add3A_12 : vector<1024x64xf32>
    %slice3A_14 = vector.extract_strided_slice %get3A_1 {offsets = [3, 0], sizes = [1, 64], strides = [1, 1]} : vector<8x64xf32> to vector<1x64xf32>
    %squeeze3A_15 = vector.shape_cast %slice3A_14 : vector<1x64xf32> to vector<64xf32>
    %broadcast_in_dim3A_16 = vector.shape_cast %squeeze3A_15 : vector<64xf32> to vector<1x64xf32>
    %sub3A = vector.broadcast %broadcast_in_dim3A_16 : vector<1x64xf32> to vector<1024x64xf32>
    %sub3A_17 = arith.subf %add3A_13, %sub3A : vector<1024x64xf32>
    %slice3A_18 = vector.extract_strided_slice %get3A_1 {offsets = [4, 0], sizes = [1, 64], strides = [1, 1]} : vector<8x64xf32> to vector<1x64xf32>
    %squeeze3A_19 = vector.shape_cast %slice3A_18 : vector<1x64xf32> to vector<64xf32>
    %add3A_20 = arith.constant 9.99999974E-6 : f32
    %add3A_21 = vector.broadcast %add3A_20 : f32 to vector<64xf32>
    %add3A_22 = arith.addf %squeeze3A_19, %add3A_21 : vector<64xf32>
    %sqrt3A = math.sqrt %add3A_22 : vector<64xf32>
    %broadcast_in_dim3A_23 = vector.shape_cast %sqrt3A : vector<64xf32> to vector<1x64xf32>
    %div3A = vector.broadcast %broadcast_in_dim3A_23 : vector<1x64xf32> to vector<1024x64xf32>
    %div3A_24 = arith.divf %sub3A_17, %div3A : vector<1024x64xf32>
    %slice3A_25 = vector.extract_strided_slice %get3A_1 {offsets = [1, 0], sizes = [1, 64], strides = [1, 1]} : vector<8x64xf32> to vector<1x64xf32>
    %squeeze3A_26 = vector.shape_cast %slice3A_25 : vector<1x64xf32> to vector<64xf32>
    %broadcast_in_dim3A_27 = vector.shape_cast %squeeze3A_26 : vector<64xf32> to vector<1x64xf32>
    %mul3A = vector.broadcast %broadcast_in_dim3A_27 : vector<1x64xf32> to vector<1024x64xf32>
    %mul3A_28 = arith.mulf %div3A_24, %mul3A : vector<1024x64xf32>
    %slice3A_29 = vector.extract_strided_slice %get3A_1 {offsets = [2, 0], sizes = [1, 64], strides = [1, 1]} : vector<8x64xf32> to vector<1x64xf32>
    %squeeze3A_30 = vector.shape_cast %slice3A_29 : vector<1x64xf32> to vector<64xf32>
    %broadcast_in_dim3A_31 = vector.shape_cast %squeeze3A_30 : vector<64xf32> to vector<1x64xf32>
    %add3A_32 = vector.broadcast %broadcast_in_dim3A_31 : vector<1x64xf32> to vector<1024x64xf32>
    %add3A_33 = arith.addf %mul3A_28, %add3A_32 : vector<1024x64xf32>
    %max3A = arith.constant 0.000000e+00 : f32
    %max3A_34 = vector.broadcast %max3A : f32 to vector<1024x64xf32>
    %max3A_35 = arith.maximumf %add3A_33, %max3A_34 : vector<1024x64xf32>
    %get3A_36 = arith.constant 0 : index
    %get3A_37 = arith.constant 0 : index
    %get3A_38 = vector.load %arg5[%get3A_36, %get3A_37] : memref<64x64xf32, #tpu.memory_space<vmem>>, vector<64x64xf32>
    %dot_general3A_39 = arith.constant dense<0.000000e+00> : vector<1024x64xf32>
    %dot_general3A_40 = tpu.matmul %max3A_35, %get3A_38, %dot_general3A_39 {dimension_numbers = #tpu.dot_dimension_numbers<[1], [0], [0], [1], [0, 0, 1, 1], [], []>, transpose_lhs_hint = false} : vector<1024x64xf32>, vector<64x64xf32>, vector<1024x64xf32> -> vector<1024x64xf32>
    %slice3A_41 = vector.extract_strided_slice %get3A_1 {offsets = [5, 0], sizes = [1, 64], strides = [1, 1]} : vector<8x64xf32> to vector<1x64xf32>
    %squeeze3A_42 = vector.shape_cast %slice3A_41 : vector<1x64xf32> to vector<64xf32>
    %broadcast_in_dim3A_43 = vector.shape_cast %squeeze3A_42 : vector<64xf32> to vector<1x64xf32>
    %add3A_44 = vector.broadcast %broadcast_in_dim3A_43 : vector<1x64xf32> to vector<1024x64xf32>
    %add3A_45 = arith.addf %dot_general3A_40, %add3A_44 : vector<1024x64xf32>
    %max3A_46 = arith.constant 0.000000e+00 : f32
    %max3A_47 = vector.broadcast %max3A_46 : f32 to vector<1024x64xf32>
    %max3A_48 = arith.maximumf %add3A_45, %max3A_47 : vector<1024x64xf32>
    %get3A_49 = arith.constant 0 : index
    %get3A_50 = arith.constant 0 : index
    %get3A_51 = vector.load %arg1[%get3A_49, %get3A_50] : memref<1024x64xf32, #tpu.memory_space<vmem>>, vector<1024x64xf32>
    %concatenate3A = tpu.concatenate %get3A_51, %max3A_48 in 1 : vector<1024x64xf32>, vector<1024x64xf32> -> vector<1024x128xf32>
    %get3A_52 = arith.constant 0 : index
    %get3A_53 = arith.constant 0 : index
    %get3A_54 = arith.constant 0 : index
    %get3A_55 = vector.load %arg6[%get3A_52, %get3A_53, %get3A_54] : memref<1x1x1024xi32, #tpu.memory_space<vmem>>, vector<1x1x1024xi32>
    %get3A_56 = vector.shape_cast %get3A_55 : vector<1x1x1024xi32> to vector<1024xi32>
    %broadcast_in_dim3A_57 = vector.shape_cast %get3A_56 : vector<1024xi32> to vector<1024x1xi32>
    %iota3A = tpu.iota {dimensions = array<i32: 1>} : vector<1024x128xi32>
    %eq3A = vector.broadcast %broadcast_in_dim3A_57 : vector<1024x1xi32> to vector<1024x128xi32>
    %eq3A_58 = arith.cmpi eq, %eq3A, %iota3A : vector<1024x128xi32>
    %convert_element_type3A = arith.extui %eq3A_58 : vector<1024x128xi1> to vector<1024x128xi32>
    %convert_element_type3A_59 = arith.sitofp %convert_element_type3A : vector<1024x128xi32> to vector<1024x128xf32>
    %dot_general3A_60 = arith.constant dense<0.000000e+00> : vector<128x128xf32>
    %dot_general3A_61 = tpu.matmul %convert_element_type3A_59, %concatenate3A, %dot_general3A_60 {dimension_numbers = #tpu.dot_dimension_numbers<[0], [0], [1], [1], [0, 1, 1, 1], [], []>, precision = #tpu.contract_precision<fp32>, transpose_lhs_hint = false} : vector<1024x128xf32>, vector<1024x128xf32>, vector<128x128xf32> -> vector<128x128xf32>
    %eq3A_62 = arith.constant 0 : i32
    %eq3A_63 = arith.cmpi eq, %arg0, %eq3A_62 : i32
    %convert_element_type3A_64 = arith.extui %eq3A_63 : i1 to i32
    %cond3A = arith.constant 0 : i32
    %cond3A_65 = arith.cmpi ne, %convert_element_type3A_64, %cond3A : i32
    scf.if %cond3A_65 {
      %broadcast_in_dim3A_77 = arith.constant 0.000000e+00 : f32
      %broadcast_in_dim3A_78 = vector.broadcast %broadcast_in_dim3A_77 : f32 to vector<128x128xf32>
      %swap3A_79 = arith.constant 0 : index
      %swap3A_80 = arith.constant 0 : index
      %swap3A_81 = vector.load %arg10[%swap3A_79, %swap3A_80] : memref<128x128xf32, #tpu.memory_space<vmem>>, vector<128x128xf32>
      tpu.vector_store %arg10[%swap3A_79, %swap3A_80], %broadcast_in_dim3A_78 {strides = array<i32>} : memref<128x128xf32, #tpu.memory_space<vmem>>, vector<128x128xf32>,
    } else {
    }
    %get3A_66 = arith.constant 0 : index
    %get3A_67 = arith.constant 0 : index
    %get3A_68 = vector.load %arg10[%get3A_66, %get3A_67] : memref<128x128xf32, #tpu.memory_space<vmem>>, vector<128x128xf32>
    %add3A_69 = arith.addf %get3A_68, %dot_general3A_61 : vector<128x128xf32>
    %swap3A = arith.constant 0 : index
    %swap3A_70 = arith.constant 0 : index
    %swap3A_71 = vector.load %arg10[%swap3A, %swap3A_70] : memref<128x128xf32, #tpu.memory_space<vmem>>, vector<128x128xf32>
    tpu.vector_store %arg10[%swap3A, %swap3A_70], %add3A_69 {strides = array<i32>} : memref<128x128xf32, #tpu.memory_space<vmem>>, vector<128x128xf32>,
    %eq3A_72 = arith.constant 9 : i32
    %eq3A_73 = arith.cmpi eq, %arg0, %eq3A_72 : i32
    %convert_element_type3A_74 = arith.extui %eq3A_73 : i1 to i32
    %cond3A_75 = arith.constant 0 : i32
    %cond3A_76 = arith.cmpi ne, %convert_element_type3A_74, %cond3A_75 : i32
    scf.if %cond3A_76 {
      %get3A_77 = arith.constant 0 : index
      %get3A_78 = arith.constant 0 : index
      %get3A_79 = vector.load %arg10[%get3A_77, %get3A_78] : memref<128x128xf32, #tpu.memory_space<vmem>>, vector<128x128xf32>
      %get3A_80 = arith.constant 0 : index
      %get3A_81 = arith.constant 0 : index
      %get3A_82 = vector.load %arg7[%get3A_80, %get3A_81] : memref<128x2xf32, #tpu.memory_space<vmem>>, vector<128x2xf32>
      %dot_general3A_83 = arith.constant dense<0.000000e+00> : vector<128x2xf32>
      %dot_general3A_84 = tpu.matmul %get3A_79, %get3A_82, %dot_general3A_83 {dimension_numbers = #tpu.dot_dimension_numbers<[1], [0], [0], [1], [0, 0, 1, 1], [], []>, transpose_lhs_hint = false} : vector<128x128xf32>, vector<128x2xf32>, vector<128x2xf32> -> vector<128x2xf32>
      %get3A_85 = arith.constant 0 : index
      %get3A_86 = arith.constant 0 : index
      %get3A_87 = vector.load %arg8[%get3A_85, %get3A_86] : memref<1x2xf32, #tpu.memory_space<vmem>>, vector<1x2xf32>
      %add3A_88 = vector.broadcast %get3A_87 : vector<1x2xf32> to vector<128x2xf32>
      %add3A_89 = arith.addf %dot_general3A_84, %add3A_88 : vector<128x2xf32>
      %swap3A_90 = arith.constant 0 : index
      %swap3A_91 = arith.constant 0 : index
      %swap3A_92 = vector.load %arg9[%swap3A_90, %swap3A_91] : memref<128x2xf32, #tpu.memory_space<vmem>>, vector<128x2xf32>
      tpu.vector_store %arg9[%swap3A_90, %swap3A_91], %add3A_89 {strides = array<i32>} : memref<128x2xf32, #tpu.memory_space<vmem>>, vector<128x2xf32>,
    } else {
    }
    return
  }
  func.func @transform_0(%arg0: i32) -> (i32, i32) {
    %c0_i32 = arith.constant 0 : i32
    %c0_i32_0 = arith.constant 0 : i32
    return %arg0, %c0_i32 : i32, i32
  }
  func.func @transform_1(%arg0: i32) -> (i32, i32) {
    %c0_i32 = arith.constant 0 : i32
    %c0_i32_0 = arith.constant 0 : i32
    return %arg0, %c0_i32 : i32, i32
  }
  func.func @transform_2(%arg0: i32) -> (i32, i32) {
    %c0_i32 = arith.constant 0 : i32
    %c0_i32_0 = arith.constant 0 : i32
    %c0_i32_1 = arith.constant 0 : i32
    return %c0_i32, %c0_i32_0 : i32, i32
  }
  func.func @transform_3(%arg0: i32) -> (i32, i32) {
    %c0_i32 = arith.constant 0 : i32
    %c0_i32_0 = arith.constant 0 : i32
    %c0_i32_1 = arith.constant 0 : i32
    return %c0_i32, %c0_i32_0 : i32, i32
  }
  func.func @transform_4(%arg0: i32) -> (i32, i32) {
    %c0_i32 = arith.constant 0 : i32
    %c0_i32_0 = arith.constant 0 : i32
    %c0_i32_1 = arith.constant 0 : i32
    return %c0_i32, %c0_i32_0 : i32, i32
  }
  func.func @transform_5(%arg0: i32) -> (i32, i32, i32) {
    %c0_i32 = arith.constant 0 : i32
    %c0_i32_0 = arith.constant 0 : i32
    %c0_i32_1 = arith.constant 0 : i32
    return %arg0, %c0_i32, %c0_i32_0 : i32, i32, i32
  }
  func.func @transform_6(%arg0: i32) -> (i32, i32) {
    %c0_i32 = arith.constant 0 : i32
    %c0_i32_0 = arith.constant 0 : i32
    %c0_i32_1 = arith.constant 0 : i32
    return %c0_i32, %c0_i32_0 : i32, i32
  }
  func.func @transform_7(%arg0: i32) -> (i32, i32) {
    %c0_i32 = arith.constant 0 : i32
    %c0_i32_0 = arith.constant 0 : i32
    %c0_i32_1 = arith.constant 0 : i32
    return %c0_i32, %c0_i32_0 : i32, i32
  }
  func.func @transform_8(%arg0: i32) -> (i32, i32) {
    %c0_i32 = arith.constant 0 : i32
    %c0_i32_0 = arith.constant 0 : i32
    %c0_i32_1 = arith.constant 0 : i32
    return %c0_i32, %c0_i32_0 : i32, i32
  }
}

</mosaic_0001>

<sc_bundles>
// kernel: kernel.6.cloned.1.call-start
scs
__scs_entry_jumppad:
0x0: {  	(pc) =	sbr.rel $0x88, $3  }
0x1: {  	(tag) =	ssettag $0x0;
	lr =	simm.s32 $0x1  }
0x2: {  	[smem:$0x3F8C] =	sst lr;
	_ =	strace $0xD0000000  }
0x3: {  	_ = 	snop  }
0x4: {  	_ = 	snop  }
0x5: {  	_ = 	snop  }
0x6: {  	_ = 	snop  }
0x7: {  	_ = 	snop  }
__scs_overlays_trampoline_lowered:
0x8: {  	[smem:$0x3F9B] =	sst s0  }
0x9: {  	[smem:$0x3F9C] =	sst s1  }
0xa: {  	[smem:$0x3F9D] =	sst s2  }
0xb: {  	[smem:$0x3F9E] =	sst s3  }
0xc: {  	[smem:$0x3F9F] =	sst s4  }
0xd: {  	[smem:$0x3FA0] =	sst s5  }
0xe: {  	[smem:$0x3FA1] =	sst s6  }
0xf: {  	[smem:$0x3FA2] =	sst s7  }
0x10: {  	[smem:$0x3FA3] =	sst s8  }
0x11: {  	[smem:$0x3FA4] =	sst s9;
	s0 =	simm.s32 @!p0 $0x0  }
0x12: {  	s1 =	sld [smem:$0x3F8A];
	s0 =	simm.s32 @p0 $0x1  }
0x13: {  	[smem:$0x3FA5] =	sst s0;
	s0 =	simm.s32 @!p1 $0x0  }
0x14: {  	s2 =	sld [smem:$0x3F89];
	s0 =	simm.s32 @p1 $0x1  }
0x15: {  	[smem:$0x3FA6] =	sst s0;
	s0 =	simm.s32 @!p2 $0x0  }
0x16: {  	s3 =	sld [smem:$0x3FDB];
	s0 =	simm.s32 @p2 $0x1  }
0x17: {  	s4 =	simm.s32 $0x1BF5;
	[smem:$0x3FA8] =	sst s0  }
0x18: {  	s0 =	sld [smem:$0x3F8B];
	_ =	swait.ge [sflag:s4], $0x0  }
0x19: {  	s7 =	sld [smem:$0x3F8C]  }
0x1a: {  	s8 =	sadd.s32 $0xFFFFE003, lr  }
0x1b: {  	s9 =	sadd.s32 $0xFFFFFEF7, lr;
	s5 =	simm.s32 $0xFFFFFFFF;
	p2 =	slt.u32 s8, $0xFFFFF086  }
0x1c: {  	p1 =	slt.u32 s9, $0xF7A;
	s5 =	simm.s32 @!p2 $0x0  }
0x1d: {  	s5 =	simm.s32 @p1 $0x1;
	p0 =	seq.s32 s7, s2  }
0x1e: {  	s7 =	smul.u32 @!p0 $0xF7A, s2;
	p2 =	seq.s32 @!p0 s5, $0x0  }
0x1f: {  	s9 =	smul.u32 $0xF7A, s1;
	s8 =	simm.s32 @!p0 $0x1BF5;
	p2 =	por !p2, p0  }
0x20: {  	[sflag:s8] =	ssyncset.s32 @!p0 $0xFFFFF086;
	s6 =	sadd.s32 @!p0 s3, s7;
	s7 =	simm.s32 @!p0 $0x108  }
0x21: {  	s3 =	sadd.s32 s3, s9;
	s6 =	sadd.s32 @!p0 $0x88, s6;
	s7 =	simm.s32 @p2 $0x1082  }
0x22: {  	[simem:s7], [sflag:s8] =	dma.local @!p0 [hbm:s6], $0xF7A  }
0x23: {  	s9 =	sor.u32 $0xD0000000, s2;
	s6 =	simm.s32 $0x108;
	_ =	swait.ge @!p0 [sflag:s8], $0x0  }
0x24: {  	s3 =	sadd.s32 $0x88, s3;
	s6 =	simm.s32 @!p1 $0x1082;
	[sflag:s4] =	ssyncset.s32 $0xFFFFF086  }
0x25: {  	[simem:s6], [sflag:s4] =	dma.local [hbm:s3], $0xF7A  }
0x26: {  	[smem:$0x3F8C] =	sst s1;
	(tag) =	ssettag s2;
	_ =	strace s9  }
0x27: {  	s1 =	sld [smem:$0x3F9C]  }
0x28: {  	s2 =	sld [smem:$0x3F9D]  }
0x29: {  	s4 =	sld [smem:$0x3F9F]  }
0x2a: {  	p0 =	seq.s32 s5, $0x0;
	s5 =	sld [smem:$0x3FA0]  }
0x2b: {  	s6 =	sld [smem:$0x3FA1]  }
0x2c: {  	s7 =	sld [smem:$0x3FA2]  }
0x2d: {  	s3 =	simm.s32 $0x108;
	s8 =	sld [smem:$0x3FA3]  }
0x2e: {  	s3 =	simm.s32 @!p0 $0x1082;
	s9 =	sld [smem:$0x3FA4]  }
0x2f: {  	lr =	sadd.s32 s0, s3;
	s0 =	sld [smem:$0x3F9B]  }
0x30: {  	s3 =	sld [smem:$0x3F9E]  }
0x31: {  	[smem:$0x3FA7] =	sst s10  }
0x32: {  	s10 =	sld [smem:$0x3FA5];
	_ =	sdelay $0x3  }
0x33: {  	p0 =	seq.s32 s10, $0x1;
	s10 =	sld [smem:$0x3FA7];
	_ =	sdelay $0x3  }
0x34: {  	[smem:$0x3FA7] =	sst s10  }
0x35: {  	s10 =	sld [smem:$0x3FA6];
	_ =	sdelay $0x3  }
0x36: {  	p1 =	seq.s32 s10, $0x1;
	s10 =	sld [smem:$0x3FA7];
	_ =	sdelay $0x3  }
0x37: {  	[smem:$0x3FA7] =	sst s10  }
0x38: {  	s10 =	sld [smem:$0x3FA8]  }
0x39: {  	_ = 	snop;
	(pc) =	sbr.ind lr, $3  }
0x3a: {  	_ = 	snop  }
0x3b: {  	_ = 	snop  }
0x3c: {  	p2 =	seq.s32 s10, $0x1;
	s10 =	sld [smem:$0x3FA7]  }
0x3d: {  	_ =	shalt  }
0x3e: {  	_ =	shalt  }
0x3f: {  	_ =	shalt  }
0x40: {  	_ =	shalt  }
0x41: {  	_ =	shalt  }
0x42: {  	_ =	shalt  }
0x43: {  	_ =	shalt  }
0x44: {  	_ =	shalt  }
0x45: {  	_ =	shalt  }
0x46: {  	_ =	shalt  }
0x47: {  	_ =	shalt  }
0x48: {  	_ =	shalt  }
0x49: {  	_ =	shalt  }
0x4a: {  	_ =	shalt  }
0x4b: {  	_ =	shalt  }
0x4c: {  	_ =	shalt  }
0x4d: {  	_ =	shalt  }
0x4e: {  	_ =	shalt  }
0x4f: {  	_ =	shalt  }
0x50: {  	_ =	shalt  }
0x51: {  	_ =	shalt  }
0x52: {  	_ =	shalt  }
0x53: {  	_ =	shalt  }
0x54: {  	_ =	shalt  }
0x55: {  	_ =	shalt  }
0x56: {  	_ =	shalt  }
0x57: {  	_ =	shalt  }
0x58: {  	_ =	shalt  }
0x59: {  	_ =	shalt  }
0x5a: {  	_ =	shalt  }
0x5b: {  	_ =	shalt  }
0x5c: {  	_ =	shalt  }
0x5d: {  	_ =	shalt  }
0x5e: {  	_ =	shalt  }
0x5f: {  	_ =	shalt  }
0x60: {  	_ =	shalt  }
0x61: {  	_ =	shalt  }
0x62: {  	_ =	shalt  }
0x63: {  	_ =	shalt  }
0x64: {  	_ =	shalt  }
0x65: {  	_ =	shalt  }
0x66: {  	_ =	shalt  }
0x67: {  	_ =	shalt  }
0x68: {  	_ =	shalt  }
0x69: {  	_ =	shalt  }
0x6a: {  	_ =	shalt  }
0x6b: {  	_ =	shalt  }
0x6c: {  	_ =	shalt  }
0x6d: {  	_ =	shalt  }
0x6e: {  	_ =	shalt  }
0x6f: {  	_ =	shalt  }
0x70: {  	_ =	shalt  }
0x71: {  	_ =	shalt  }
0x72: {  	_ =	shalt  }
0x73: {  	_ =	shalt  }
0x74: {  	_ =	shalt  }
0x75: {  	_ =	shalt  }
0x76: {  	_ =	shalt  }
0x77: {  	_ =	shalt  }
0x78: {  	_ =	shalt  }
0x79: {  	_ =	shalt  }
0x7a: {  	_ =	shalt  }
0x7b: {  	_ =	shalt  }
0x7c: {  	_ =	shalt  }
0x7d: {  	_ =	shalt  }
0x7e: {  	_ =	shalt  }
0x7f: {  	_ =	shalt  }
0x80: {  	_ =	shalt  }
0x81: {  	_ =	shalt  }
0x82: {  	_ =	shalt  }
0x83: {  	_ =	shalt  }
0x84: {  	_ =	shalt  }
0x85: {  	_ =	shalt  }
0x86: {  	_ =	shalt  }
0x87: {  	_ =	shalt  }
.Lfunc_end0:
.L_simem_size_0:
called_computation_lowered:
.L_overlay_start_0:
0x88: {  	s2 =	sld [smem:$0x3FD9]  }
0x89: {  	s3 =	sld [smem:$0x3FFE];
	_ =	sdelay $0x1  }
0x8a: {  	s1 =	srdreg.scid  }
0x8b: {  	s0 =	sand.u32 $0x1, s1  }
0x8c: {  	s16 =	sshll.u32 s0, $0xA;
	s2 =	sadd.s32 s3, s2  }
0x8d: {  	s2 =	sadd.s32 s2, s16  }
0x8e: {  	[smem:$0x3FB3] =	sst s2  }
0x8f: {  	_ = 	snop  }
0x90: {  	(tm) =	ssettm $0x1  }
0x91: {  	s17 =	sld [smem:$0x3FFB];
	_ =	sdelay $0x3  }
0x92: {  	_ =	strace s17  }
0x93: {  	s2 =	sld [smem:$0x3FFC];
	_ =	sdelay $0x3  }
0x94: {  	_ =	strace s2  }
0x95: {  	s2 =	sld [smem:$0x3FFD];
	_ =	sdelay $0x3  }
0x96: {  	_ =	strace s2  }
0x97: {  	_ =	strace $0x8FFFFFFF  }
0x98: {  	s18 =	sld [smem:$0x3FDB];
	_ =	sdelay $0x1  }
0x99: {  	s19 =	simm.s32 $_scs_section_size  }
0x9a: {  	s4 =	simm.s32 $_size__tile_overlayer_lowered;
	s5 =	simm.s32 $_tile_overlayer_lowered  }
0x9b: {  	s22 =	simm.s32 $0x1BFF;
	s21 =	sshll.u32 s5, $0x1;
	s2 =	sadd.s32 s19, s18  }
0x9c: {  	s6 =	simm.s32 $0x0;
	s20 =	sshll.u32 s4, $0x1;
	s4 =	sadd.s32 s21, s2  }
0x9d: {  	[timem:s6], [sflag:s22] =	dma.local [hbm:s4], s20  }
0x9e: {  	_ =	swait.ge [sflag:s22], s20  }
0x9f: {  	s3 =	ssub.s32 $0x0, s20;
	[sflag:s22] =	ssyncset.done $0x0  }
0xa0: {  	[sflag:s22] =	ssyncadd.s32 s3;
	_ =	sdelay $0x1  }
0xa1: {  	s23 =	simm.s32 $0x1B8B  }
0xa2: {  	_ =	swait.ge [sflag:s23], $0x1  }
0xa3: {  	[sflag:s23] =	ssyncset.done $0x0  }
0xa4: {  	s25 =	simm.s32 $0x1B8E;
	s24 =	sld [smem:$0x3FFE];
	[sflag:s23] =	ssyncadd.s32 $0xFFFFFFFF  }
0xa5: {  	s26 =	simm.s32 $execute0_lowered;
	[smem:$0x3FD2] =	sst s25  }
0xa6: {  	s4 =	sshll.u32 s26, $0x1;
	_ =	strace $0x80000046;
	[dreg:$0x1] =	wrdreg $0xFFFFFFFF  }
0xa7: {  	s28 =	simm.s32 $_size_execute0_lowered;
	s2 =	sadd.s32 s2, s4;
	[dreg:$0x0] =	wrdreg $0x0  }
0xa8: {  	s4 =	sshll.u32 s28, $0x1;
	[dreg:$0x2] =	wrdreg s2  }
0xa9: {  	[dreg:$0x3] =	wrdreg s4  }
0xaa: {  	[dreg:$0x4] =	wrdreg $0xC0  }
0xab: {  	_ =	task [dreg:s6], $0x5FFFF  }
0xac: {  	[dreg:$0x1] =	wrdreg $0xFFFFFFFF  }
0xad: {  	[dreg:$0x0] =	wrdreg $0x60  }
0xae: {  	[dreg:$0x2] =	wrdreg s24  }
0xaf: {  	[dreg:$0x3] =	wrdreg $0x81000  }
0xb0: {  	[dreg:$0x4] =	wrdreg $0x9  }
0xb1: {  	_ =	task.clear_ibuf [dreg:s6], $0x5FFFF;
	_ =	strace $0x90000046  }
0xb2: {  	s29 =	simm.s32 $0x9;
	_ =	strace $0x80000048  }
0xb3: {  	_ =	swait.ge [sflag:s29], $0x1  }
0xb4: {  	[sflag:s29] =	ssyncadd.s32 $0xFFFFFFFF  }
0xb5: {  	_ =	strace $0x90000048  }
0xb6: {  	_ =	sfence  }
0xb7: {  	s30 =	sld [smem:$0x0];
	_ =	sdelay $0x2  }
0xb8: {  	s31 =	sshll.u32 s1, $0xD;
	s1 =	sshrl.u32 s1, $0x2  }
0xb9: {  	s3 =	sand.u32 $0x4000, s31;
	s1 =	sadd.s32 s1, s30  }
0xba: {  	s0 =	sor.u32 s3, s0;
	s1 =	sshll.u32 s1, $0x11  }
0xbb: {  	s0 =	sor.u32 s1, s0  }
0xbc: {  	s0 =	sadd.s32 $0x8F2B, s0  }
0xbd: {  	[sflag:s0] =	ssyncadd.remote.s32 $0x1  }
0xbe: {  	_ =	sfence.sel $0xFFFF  }
0xbf: {  	[dreg:$0x0] =	wrdreg $0xFFFFFFFF;
	(pc) =	sbr.abs _section_cstart, $3  }
0xc0: {  	[dreg:$0x1] =	wrdreg $0xFFFFFFFF  }
0xc1: {  	_ =	task.clear_ibuf [dreg:s6], $0x2FFFF;
	_ =	strace $0x9FFFFFFF  }
0xc2: {  	(tm) =	ssettm $0x7FFFFFFF  }
0xc3: {  	_ =	shalt  }
tec
execute0_lowered:
.L_overlay_start_1:
0x0: {  	(tag) =	ssettag $0x1  }
0x1: {  	s6 =	rddreg [dreg:$0x0]  }
0x2: {  	s2 =	rddreg [dreg:$0x1];
	s3 =	simm.s32 $0x0;
	s0 =	stileid.u32  }
0x3: {  	s5 =	srdreg.scid;
	s17 =	simm.s32 $0x4100;
	s18 =	simm.s32 $0x1  }
0x4: {  	s19 =	simm.s32 $0x80;
	s20 =	simm.s32 $0x100;
	s4 =	smul.u32 $0x4F0, s0  }
0x5: {  	s21 =	simm.s32 $0x60;
	[smem:$0x7FF] =	sst s3;
	s8 =	smul.u32 $0x50000, s0  }
0x6: {  	s7 =	sand.u32 $0x1, s5;
	s5 =	sadd.s32 $0x20200, s6;
	s12 =	smul.u32 $0x78000, s0  }
0x7: {  	s9 =	sadd.s32 $0x2800, s6;
	s13 =	sadd.s32 $0x10F800, s6;
	s10 =	smul.u32 $0xED00, s7  }
0x8: {  	_ =	strace $0x80000047;
	s11 =	ssub.s32 $0x2, s7;
	s14 =	smul.u32 $0x180, s7  }
0x9: {  	s15 =	smul.u32 $0x3, s7;
	s22 =	sshrl.u32 s11, $0x1;
	s23 =	sshrl.u32 s8, $0x2  }
0xa: {  	s16 =	sadd.s32 s4, s6;
	s11 =	ssub.s32 s11, s22;
	s6 =	sadd.s32 s23, s2  }
0xb: {  	s7 =	sadd.s32 s9, s10;
	s24 =	sor.u32 s14, s12;
	s25 =	sadd.s32 $0x1, s15  }
0xc: {  	s26 =	sshll.u32 s15, $0x7;
	s16 =	sadd.s32 $0x10A800, s16;
	s22 =	simm.s32 $0x10  }
0xd: {  	s8 =	sshrl.u32 s24, $0x3;
	s28 =	smul.u32 $0x4F00, s25;
	s10 =	sshll.u32 s25, $0x7  }
0xe: {  	s14 =	sor.u32 s12, s26;
	s24 =	sadd.s32 $0x9E00, s7;
	s11 =	smax.u32 s11, $0x1  }
0xf: {  	s15 =	sadd.s32 $0x10000, s6;
	s25 =	simm.s32 $0x0;
	s8 =	sadd.s32 s13, s8  }
0x10: {  	s10 =	sor.u32 s12, s10;
	s29 =	sadd.s32 $0x100, s14;
	s12 =	sadd.s32 $0x4000, s6  }
0x11: {  	s14 =	sadd.s32 $0xC000, s6;
	s24 =	sadd.s32 s24, s4;
	s30 =	sshrl.u32 s10, $0x3  }
0x12: {  	s23 =	sadd.s32 s9, s28;
	s31 =	sshrl.u32 s29, $0x3;
	s9 =	sadd.s32 s13, s30  }
0x13: {  	v0 =	vimm.f32 $0.0e+00;
	s10 =	sadd.s32 s13, s31;
	s13 =	sadd.s32 $0x8000, s6;
	s23 =	sadd.s32 s23, s4  }
.LBB2_1:
0x14: {  	s26 =	simm.s32 $0x0;
	s28 =	simm.s32 $0x200  }
.LBB2_2:
0x15: {  	p0 =	sne.s32 s28, $0xFE00;
	[tilespmem:s26+$0x4170] =	vst v0  }
0x16: {  	[tilespmem:s26+$0x4100] =	vst v0  }
0x17: {  	[tilespmem:s26+$0x4110] =	vst v0  }
.Ltmp0:
0x18: {  	[tilespmem:s26+$0x4120] =	vst v0;
	(pc) =	sbr.rel @p0 .LBB2_2-.Ltmp0, $4  }
0x19: {  	[tilespmem:s26+$0x4130] =	vst v0  }
0x1a: {  	[tilespmem:s26+$0x4140] =	vst v0  }
0x1b: {  	[tilespmem:s26+$0x4150] =	vst v0  }
0x1c: {  	[tilespmem:s26+$0x4160] =	vst v0;
	s26 =	sshra.s32 s28, $0x2;
	s28 =	sadd.s32 $0x200, s28  }
0x1d: {  	[tilespmem:s26+$0x4170] =	vst v0  }
0x1e: {  	[tilespmem:s26+$0x4100] =	vst v0  }
0x1f: {  	[tilespmem:s26+$0x4110] =	vst v0  }
0x20: {  	[tilespmem:s26+$0x4120] =	vst v0  }
0x21: {  	[tilespmem:s26+$0x4130] =	vst v0  }
0x22: {  	[tilespmem:s26+$0x4140] =	vst v0  }
0x23: {  	[tilespmem:s26+$0x4150] =	vst v0  }
0x24: {  	[tilespmem:s26+$0x4160] =	vst v0  }
0x25: {  	[spmem:s6] =	stream.linear.scatter [tilespmem:s17], [sflag:$0x1], $0x4000, $0x38;
	[tilespmem:$0x1C100] =	vst v63  }
0x26: {  	_ =	swait.ge [sflag:s18], $0x4000  }
0x27: {  	[sflag:s18] =	ssyncset.done $0x0  }
0x28: {  	[sflag:s18] =	ssyncadd.s32 $0xFFFFC000  }
0x29: {  	[spmem:s12] =	stream.linear.scatter [tilespmem:s17], [sflag:$0x1], $0x4000, $0x38;
	[tilespmem:$0x1C100] =	vst v63  }
0x2a: {  	_ =	swait.ge [sflag:s18], $0x4000  }
0x2b: {  	[sflag:s18] =	ssyncset.done $0x0  }
0x2c: {  	[sflag:s18] =	ssyncadd.s32 $0xFFFFC000  }
0x2d: {  	[spmem:s13] =	stream.linear.scatter [tilespmem:s17], [sflag:$0x1], $0x4000, $0x38;
	[tilespmem:$0x1C100] =	vst v63  }
0x2e: {  	_ =	swait.ge [sflag:s18], $0x4000  }
0x2f: {  	[sflag:s18] =	ssyncset.done $0x0  }
0x30: {  	[sflag:s18] =	ssyncadd.s32 $0xFFFFC000  }
0x31: {  	[spmem:s14] =	stream.linear.scatter [tilespmem:s17], [sflag:$0x1], $0x4000, $0x38;
	[tilespmem:$0x1C100] =	vst v63  }
0x32: {  	_ =	swait.ge [sflag:s18], $0x4000  }
0x33: {  	[sflag:s18] =	ssyncset.done $0x0  }
0x34: {  	[sflag:s18] =	ssyncadd.s32 $0xFFFFC000  }
0x35: {  	[spmem:s15] =	stream.linear.scatter [tilespmem:s17], [sflag:$0x1], $0x4000, $0x38;
	[tilespmem:$0x1C100] =	vst v63  }
0x36: {  	_ =	swait.ge [sflag:s18], $0x4000  }
0x37: {  	[sflag:s18] =	ssyncset.done $0x0  }
0x38: {  	s26 =	sadd.s32 s7, s4;
	[sflag:s18] =	ssyncadd.s32 $0xFFFFC000  }
0x39: {  	s28 =	sadd.s32 $0x0, s26;
	[bflag:$0x0] =	sbarrier.arrive $0xFFFF  }
0x3a: {  	[tilespmem:s3], [sflag:$0x1] =	stream.linear.gather [hbm4b:s28+s3], $0x80, $0x38;
	[tilespmem:$0x1C100] =	vst v63  }
0x3b: {  	_ =	swait.ge [sflag:s18], $0x80  }
0x3c: {  	[sflag:s18] =	ssyncset.done $0x0  }
0x3d: {  	s28 =	sadd.s32 $0x0, s16;
	[sflag:s18] =	ssyncadd.s32 $0xFFFFFF80  }
0x3e: {  	[tilespmem:s19], [sflag:$0x1] =	stream.linear.gather [hbm4b:s28+s3], $0x80, $0x38;
	[tilespmem:$0x1C100] =	vst v63  }
0x3f: {  	_ =	swait.ge [sflag:s18], $0x80  }
0x40: {  	[sflag:s18] =	ssyncset.done $0x0  }
0x41: {  	[sflag:s18] =	ssyncadd.s32 $0xFFFFFF80  }
0x42: {  	[tilespmem:s20], [sflag:$0x1] =	stream.indirect.gather [hbm4b:s5+s19], $0x80, s3, s19, $0xb8;
	[tilespmem:$0x1C100] =	vst v63  }
0x43: {  	_ =	swait.ge [sflag:s18], $0x4000  }
0x44: {  	[sflag:s18] =	ssyncset.done $0x0  }
0x45: {  	[sflag:s18] =	ssyncadd.s32 $0xFFFFC000  }
0x46: {  	[spmem:s2] =	stream.indirect.scatter.add.f32 [tilespmem:s20], [sflag:$0x1], $0x80, s19, s19, $0xb8;
	[tilespmem:$0x1C100] =	vst v63  }
0x47: {  	_ =	swait.ge [sflag:s18], $0x4000  }
0x48: {  	s29 =	simm.s32 $0x20;
	s28 =	simm.s32 $0x10;
	[sflag:s18] =	ssyncset.done $0x0  }
.LBB2_4:
0x49: {  	s30 =	sadd.s32 s28, s26  }
0x4a: {  	[sflag:s18] =	ssyncadd.s32 $0xFFFFC000;
	s31 =	smov.u32 s29;
	s0 =	sadd.s32 $0x10, s29  }
0x4b: {  	[tilespmem:s3], [sflag:$0x1] =	stream.linear.gather [hbm4b:s30+s3], $0x80, $0x38;
	[tilespmem:$0x1C100] =	vst v63  }
0x4c: {  	p0 =	sne.s32 s29, $0x4E0;
	_ =	swait.ge [sflag:s18], $0x80  }
0x4d: {  	[sflag:s18] =	ssyncset.done $0x0  }
0x4e: {  	s29 =	sadd.s32 s28, s16;
	s28 =	smov.u32 s31;
	[sflag:s18] =	ssyncadd.s32 $0xFFFFFF80  }
0x4f: {  	[tilespmem:s19], [sflag:$0x1] =	stream.linear.gather [hbm4b:s29+s3], $0x80, $0x38;
	[tilespmem:$0x1C100] =	vst v63  }
0x50: {  	_ =	swait.ge [sflag:s18], $0x80  }
0x51: {  	[sflag:s18] =	ssyncset.done $0x0  }
0x52: {  	[sflag:s18] =	ssyncadd.s32 $0xFFFFFF80  }
0x53: {  	[tilespmem:s20], [sflag:$0x1] =	stream.indirect.gather [hbm4b:s5+s19], $0x80, s3, s19, $0xb8;
	[tilespmem:$0x1C100] =	vst v63  }
0x54: {  	_ =	swait.ge [sflag:s18], $0x4000  }
.Ltmp1:
0x55: {  	[sflag:s18] =	ssyncset.done $0x0;
	(pc) =	sbr.rel @p0 .LBB2_4-.Ltmp1, $4  }
0x56: {  	[sflag:s18] =	ssyncadd.s32 $0xFFFFC000  }
0x57: {  	[spmem:s2] =	stream.indirect.scatter.add.f32 [tilespmem:s20], [sflag:$0x1], $0x80, s19, s19, $0xb8;
	[tilespmem:$0x1C100] =	vst v63  }
0x58: {  	_ =	swait.ge [sflag:s18], $0x4000  }
0x59: {  	s29 =	smov.u32 s0;
	[sflag:s18] =	ssyncset.done $0x0  }
0x5a: {  	s0 =	sadd.s32 s28, s26;
	[sflag:s18] =	ssyncadd.s32 $0xFFFFC000  }
0x5b: {  	[tilespmem:s3], [sflag:$0x1] =	stream.linear.gather [hbm4b:s0+s3], $0x80, $0x38;
	[tilespmem:$0x1C100] =	vst v63  }
0x5c: {  	_ =	swait.ge [sflag:s18], $0x80  }
0x5d: {  	[sflag:s18] =	ssyncset.done $0x0  }
0x5e: {  	s26 =	sadd.s32 s28, s16;
	[sflag:s18] =	ssyncadd.s32 $0xFFFFFF80  }
0x5f: {  	[tilespmem:s19], [sflag:$0x1] =	stream.linear.gather [hbm4b:s26+s3], $0x80, $0x38;
	[tilespmem:$0x1C100] =	vst v63  }
0x60: {  	_ =	swait.ge [sflag:s18], $0x80  }
0x61: {  	[sflag:s18] =	ssyncset.done $0x0  }
0x62: {  	[sflag:s18] =	ssyncadd.s32 $0xFFFFFF80  }
0x63: {  	[tilespmem:s20], [sflag:$0x1] =	stream.indirect.gather [hbm4b:s5+s19], $0x80, s3, s19, $0xb8;
	[tilespmem:$0x1C100] =	vst v63  }
0x64: {  	_ =	swait.ge [sflag:s18], $0x4000  }
0x65: {  	[sflag:s18] =	ssyncset.done $0x0  }
0x66: {  	[sflag:s18] =	ssyncadd.s32 $0xFFFFC000  }
0x67: {  	[spmem:s2] =	stream.indirect.scatter.add.f32 [tilespmem:s20], [sflag:$0x1], $0x80, s19, s19, $0xb8;
	[tilespmem:$0x1C100] =	vst v63  }
0x68: {  	_ =	swait.ge [sflag:s18], $0x4000  }
0x69: {  	s31 =	stileid.u32;
	[sflag:s18] =	ssyncset.done $0x0  }
0x6a: {  	s0 =	sshll.u32 s31, $0x6;
	[sflag:s18] =	ssyncadd.s32 $0xFFFFC000  }
0x6b: {  	s28 =	sshrl.u32 s6, $0x3;
	s26 =	sor.u32 $0x1C01, s0;
	[bflag:$0x0] =	sbarrier.arrive $0xFFFF  }
0x6c: {  	[hbm:s8@s21], [sflag:s26] =	dma.strided [spmem:s28@s22], $0x2800, s18, $0x10   }
0x6d: {  	_ =	swait.ge [sflag:s18], $0x2800  }
0x6e: {  	[sflag:s18] =	ssyncset.done $0x0  }
0x6f: {  	[sflag:s18] =	ssyncadd.s32 $0xFFFFD800  }
0x70: {  	[bflag:$0x0] =	sbarrier.arrive $0xFFFF  }
0x71: {  	[spmem:s6] =	stream.linear.scatter [tilespmem:s17], [sflag:$0x1], $0x4000, $0x38;
	[tilespmem:$0x1C100] =	vst v63  }
0x72: {  	_ =	swait.ge [sflag:s18], $0x4000  }
0x73: {  	[sflag:s18] =	ssyncset.done $0x0  }
0x74: {  	[sflag:s18] =	ssyncadd.s32 $0xFFFFC000  }
0x75: {  	[spmem:s12] =	stream.linear.scatter [tilespmem:s17], [sflag:$0x1], $0x4000, $0x38;
	[tilespmem:$0x1C100] =	vst v63  }
0x76: {  	_ =	swait.ge [sflag:s18], $0x4000  }
0x77: {  	[sflag:s18] =	ssyncset.done $0x0  }
0x78: {  	[sflag:s18] =	ssyncadd.s32 $0xFFFFC000  }
0x79: {  	[spmem:s13] =	stream.linear.scatter [tilespmem:s17], [sflag:$0x1], $0x4000, $0x38;
	[tilespmem:$0x1C100] =	vst v63  }
0x7a: {  	_ =	swait.ge [sflag:s18], $0x4000  }
0x7b: {  	[sflag:s18] =	ssyncset.done $0x0  }
0x7c: {  	[sflag:s18] =	ssyncadd.s32 $0xFFFFC000  }
0x7d: {  	[spmem:s14] =	stream.linear.scatter [tilespmem:s17], [sflag:$0x1], $0x4000, $0x38;
	[tilespmem:$0x1C100] =	vst v63  }
0x7e: {  	_ =	swait.ge [sflag:s18], $0x4000  }
0x7f: {  	[sflag:s18] =	ssyncset.done $0x0  }
0x80: {  	[sflag:s18] =	ssyncadd.s32 $0xFFFFC000  }
0x81: {  	[spmem:s15] =	stream.linear.scatter [tilespmem:s17], [sflag:$0x1], $0x4000, $0x38;
	[tilespmem:$0x1C100] =	vst v63  }
0x82: {  	_ =	swait.ge [sflag:s18], $0x4000  }
0x83: {  	[sflag:s18] =	ssyncset.done $0x0  }
0x84: {  	[sflag:s18] =	ssyncadd.s32 $0xFFFFC000  }
0x85: {  	s1 =	sadd.s32 $0x0, s23;
	[bflag:$0x0] =	sbarrier.arrive $0xFFFF  }
0x86: {  	[tilespmem:s3], [sflag:$0x1] =	stream.linear.gather [hbm4b:s1+s3], $0x80, $0x38;
	[tilespmem:$0x1C100] =	vst v63  }
0x87: {  	_ =	swait.ge [sflag:s18], $0x80  }
0x88: {  	[sflag:s18] =	ssyncset.done $0x0  }
0x89: {  	s31 =	sadd.s32 $0x0, s16;
	[sflag:s18] =	ssyncadd.s32 $0xFFFFFF80  }
0x8a: {  	[tilespmem:s19], [sflag:$0x1] =	stream.linear.gather [hbm4b:s31+s3], $0x80, $0x38;
	[tilespmem:$0x1C100] =	vst v63  }
0x8b: {  	_ =	swait.ge [sflag:s18], $0x80  }
0x8c: {  	[sflag:s18] =	ssyncset.done $0x0  }
0x8d: {  	[sflag:s18] =	ssyncadd.s32 $0xFFFFFF80  }
0x8e: {  	[tilespmem:s20], [sflag:$0x1] =	stream.indirect.gather [hbm4b:s5+s19], $0x80, s3, s19, $0xb8;
	[tilespmem:$0x1C100] =	vst v63  }
0x8f: {  	_ =	swait.ge [sflag:s18], $0x4000  }
0x90: {  	[sflag:s18] =	ssyncset.done $0x0  }
0x91: {  	[sflag:s18] =	ssyncadd.s32 $0xFFFFC000  }
0x92: {  	[spmem:s2] =	stream.indirect.scatter.add.f32 [tilespmem:s20], [sflag:$0x1], $0x80, s19, s19, $0xb8;
	[tilespmem:$0x1C100] =	vst v63  }
0x93: {  	_ =	swait.ge [sflag:s18], $0x4000  }
0x94: {  	s29 =	simm.s32 $0x10;
	s30 =	simm.s32 $0x20;
	[sflag:s18] =	ssyncset.done $0x0  }
.LBB2_6:
0x95: {  	s0 =	sadd.s32 s29, s23  }
0x96: {  	[sflag:s18] =	ssyncadd.s32 $0xFFFFC000;
	s31 =	smov.u32 s30;
	s1 =	sadd.s32 $0x10, s30  }
0x97: {  	[tilespmem:s3], [sflag:$0x1] =	stream.linear.gather [hbm4b:s0+s3], $0x80, $0x38;
	[tilespmem:$0x1C100] =	vst v63  }
0x98: {  	p0 =	sne.s32 s30, $0x4E0;
	_ =	swait.ge [sflag:s18], $0x80  }
0x99: {  	[sflag:s18] =	ssyncset.done $0x0  }
0x9a: {  	s0 =	sadd.s32 s29, s16;
	s29 =	smov.u32 s31;
	[sflag:s18] =	ssyncadd.s32 $0xFFFFFF80  }
0x9b: {  	[tilespmem:s19], [sflag:$0x1] =	stream.linear.gather [hbm4b:s0+s3], $0x80, $0x38;
	[tilespmem:$0x1C100] =	vst v63  }
0x9c: {  	_ =	swait.ge [sflag:s18], $0x80  }
0x9d: {  	[sflag:s18] =	ssyncset.done $0x0  }
0x9e: {  	[sflag:s18] =	ssyncadd.s32 $0xFFFFFF80  }
0x9f: {  	[tilespmem:s20], [sflag:$0x1] =	stream.indirect.gather [hbm4b:s5+s19], $0x80, s3, s19, $0xb8;
	[tilespmem:$0x1C100] =	vst v63  }
0xa0: {  	_ =	swait.ge [sflag:s18], $0x4000  }
.Ltmp2:
0xa1: {  	[sflag:s18] =	ssyncset.done $0x0;
	(pc) =	sbr.rel @p0 .LBB2_6-.Ltmp2, $4  }
0xa2: {  	[sflag:s18] =	ssyncadd.s32 $0xFFFFC000  }
0xa3: {  	[spmem:s2] =	stream.indirect.scatter.add.f32 [tilespmem:s20], [sflag:$0x1], $0x80, s19, s19, $0xb8;
	[tilespmem:$0x1C100] =	vst v63  }
0xa4: {  	_ =	swait.ge [sflag:s18], $0x4000  }
0xa5: {  	s30 =	smov.u32 s1;
	[sflag:s18] =	ssyncset.done $0x0  }
0xa6: {  	s0 =	sadd.s32 s29, s23;
	[sflag:s18] =	ssyncadd.s32 $0xFFFFC000  }
0xa7: {  	[tilespmem:s3], [sflag:$0x1] =	stream.linear.gather [hbm4b:s0+s3], $0x80, $0x38;
	[tilespmem:$0x1C100] =	vst v63  }
0xa8: {  	_ =	swait.ge [sflag:s18], $0x80  }
0xa9: {  	[sflag:s18] =	ssyncset.done $0x0  }
0xaa: {  	s31 =	sadd.s32 s29, s16;
	[sflag:s18] =	ssyncadd.s32 $0xFFFFFF80  }
0xab: {  	[tilespmem:s19], [sflag:$0x1] =	stream.linear.gather [hbm4b:s31+s3], $0x80, $0x38;
	[tilespmem:$0x1C100] =	vst v63  }
0xac: {  	_ =	swait.ge [sflag:s18], $0x80  }
0xad: {  	[sflag:s18] =	ssyncset.done $0x0  }
0xae: {  	[sflag:s18] =	ssyncadd.s32 $0xFFFFFF80  }
0xaf: {  	[tilespmem:s20], [sflag:$0x1] =	stream.indirect.gather [hbm4b:s5+s19], $0x80, s3, s19, $0xb8;
	[tilespmem:$0x1C100] =	vst v63  }
0xb0: {  	_ =	swait.ge [sflag:s18], $0x4000  }
0xb1: {  	[sflag:s18] =	ssyncset.done $0x0  }
0xb2: {  	[sflag:s18] =	ssyncadd.s32 $0xFFFFC000  }
0xb3: {  	[spmem:s2] =	stream.indirect.scatter.add.f32 [tilespmem:s20], [sflag:$0x1], $0x80, s19, s19, $0xb8;
	[tilespmem:$0x1C100] =	vst v63  }
0xb4: {  	_ =	swait.ge [sflag:s18], $0x4000  }
0xb5: {  	[sflag:s18] =	ssyncset.done $0x0  }
0xb6: {  	[sflag:s18] =	ssyncadd.s32 $0xFFFFC000  }
0xb7: {  	[bflag:$0x0] =	sbarrier.arrive $0xFFFF  }
0xb8: {  	[hbm:s9@s21], [sflag:s26] =	dma.strided [spmem:s28@s22], $0x2800, s18, $0x10   }
0xb9: {  	_ =	swait.ge [sflag:s18], $0x2800  }
0xba: {  	[sflag:s18] =	ssyncset.done $0x0  }
0xbb: {  	[sflag:s18] =	ssyncadd.s32 $0xFFFFD800  }
0xbc: {  	[bflag:$0x0] =	sbarrier.arrive $0xFFFF  }
0xbd: {  	[spmem:s6] =	stream.linear.scatter [tilespmem:s17], [sflag:$0x1], $0x4000, $0x38;
	[tilespmem:$0x1C100] =	vst v63  }
0xbe: {  	_ =	swait.ge [sflag:s18], $0x4000  }
0xbf: {  	[sflag:s18] =	ssyncset.done $0x0  }
0xc0: {  	[sflag:s18] =	ssyncadd.s32 $0xFFFFC000  }
0xc1: {  	[spmem:s12] =	stream.linear.scatter [tilespmem:s17], [sflag:$0x1], $0x4000, $0x38;
	[tilespmem:$0x1C100] =	vst v63  }
0xc2: {  	_ =	swait.ge [sflag:s18], $0x4000  }
0xc3: {  	[sflag:s18] =	ssyncset.done $0x0  }
0xc4: {  	[sflag:s18] =	ssyncadd.s32 $0xFFFFC000  }
0xc5: {  	[spmem:s13] =	stream.linear.scatter [tilespmem:s17], [sflag:$0x1], $0x4000, $0x38;
	[tilespmem:$0x1C100] =	vst v63  }
0xc6: {  	_ =	swait.ge [sflag:s18], $0x4000  }
0xc7: {  	[sflag:s18] =	ssyncset.done $0x0  }
0xc8: {  	[sflag:s18] =	ssyncadd.s32 $0xFFFFC000  }
0xc9: {  	[spmem:s14] =	stream.linear.scatter [tilespmem:s17], [sflag:$0x1], $0x4000, $0x38;
	[tilespmem:$0x1C100] =	vst v63  }
0xca: {  	_ =	swait.ge [sflag:s18], $0x4000  }
0xcb: {  	[sflag:s18] =	ssyncset.done $0x0  }
0xcc: {  	[sflag:s18] =	ssyncadd.s32 $0xFFFFC000  }
0xcd: {  	[spmem:s15] =	stream.linear.scatter [tilespmem:s17], [sflag:$0x1], $0x4000, $0x38;
	[tilespmem:$0x1C100] =	vst v63  }
0xce: {  	_ =	swait.ge [sflag:s18], $0x4000  }
0xcf: {  	[sflag:s18] =	ssyncset.done $0x0  }
0xd0: {  	[sflag:s18] =	ssyncadd.s32 $0xFFFFC000  }
0xd1: {  	s1 =	sadd.s32 $0x0, s24;
	[bflag:$0x0] =	sbarrier.arrive $0xFFFF  }
0xd2: {  	[tilespmem:s3], [sflag:$0x1] =	stream.linear.gather [hbm4b:s1+s3], $0x80, $0x38;
	[tilespmem:$0x1C100] =	vst v63  }
0xd3: {  	_ =	swait.ge [sflag:s18], $0x80  }
0xd4: {  	[sflag:s18] =	ssyncset.done $0x0  }
0xd5: {  	s31 =	sadd.s32 $0x0, s16;
	[sflag:s18] =	ssyncadd.s32 $0xFFFFFF80  }
0xd6: {  	[tilespmem:s19], [sflag:$0x1] =	stream.linear.gather [hbm4b:s31+s3], $0x80, $0x38;
	[tilespmem:$0x1C100] =	vst v63  }
0xd7: {  	_ =	swait.ge [sflag:s18], $0x80  }
0xd8: {  	[sflag:s18] =	ssyncset.done $0x0  }
0xd9: {  	[sflag:s18] =	ssyncadd.s32 $0xFFFFFF80  }
0xda: {  	[tilespmem:s20], [sflag:$0x1] =	stream.indirect.gather [hbm4b:s5+s19], $0x80, s3, s19, $0xb8;
	[tilespmem:$0x1C100] =	vst v63  }
0xdb: {  	_ =	swait.ge [sflag:s18], $0x4000  }
0xdc: {  	[sflag:s18] =	ssyncset.done $0x0  }
0xdd: {  	[sflag:s18] =	ssyncadd.s32 $0xFFFFC000  }
0xde: {  	[spmem:s2] =	stream.indirect.scatter.add.f32 [tilespmem:s20], [sflag:$0x1], $0x80, s19, s19, $0xb8;
	[tilespmem:$0x1C100] =	vst v63  }
0xdf: {  	_ =	swait.ge [sflag:s18], $0x4000  }
0xe0: {  	s29 =	simm.s32 $0x10;
	s30 =	simm.s32 $0x20;
	[sflag:s18] =	ssyncset.done $0x0  }
.LBB2_8:
0xe1: {  	s0 =	sadd.s32 s29, s24  }
0xe2: {  	[sflag:s18] =	ssyncadd.s32 $0xFFFFC000;
	s1 =	smov.u32 s30;
	s31 =	sadd.s32 $0x10, s30  }
0xe3: {  	[tilespmem:s3], [sflag:$0x1] =	stream.linear.gather [hbm4b:s0+s3], $0x80, $0x38;
	[tilespmem:$0x1C100] =	vst v63  }
0xe4: {  	p0 =	sne.s32 s30, $0x4E0;
	_ =	swait.ge [sflag:s18], $0x80  }
0xe5: {  	[sflag:s18] =	ssyncset.done $0x0  }
0xe6: {  	s0 =	sadd.s32 s29, s16;
	s29 =	smov.u32 s1;
	[sflag:s18] =	ssyncadd.s32 $0xFFFFFF80  }
0xe7: {  	[tilespmem:s19], [sflag:$0x1] =	stream.linear.gather [hbm4b:s0+s3], $0x80, $0x38;
	[tilespmem:$0x1C100] =	vst v63  }
0xe8: {  	_ =	swait.ge [sflag:s18], $0x80  }
0xe9: {  	[sflag:s18] =	ssyncset.done $0x0  }
0xea: {  	[sflag:s18] =	ssyncadd.s32 $0xFFFFFF80  }
0xeb: {  	[tilespmem:s20], [sflag:$0x1] =	stream.indirect.gather [hbm4b:s5+s19], $0x80, s3, s19, $0xb8;
	[tilespmem:$0x1C100] =	vst v63  }
0xec: {  	_ =	swait.ge [sflag:s18], $0x4000  }
.Ltmp3:
0xed: {  	[sflag:s18] =	ssyncset.done $0x0;
	(pc) =	sbr.rel @p0 .LBB2_8-.Ltmp3, $4  }
0xee: {  	[sflag:s18] =	ssyncadd.s32 $0xFFFFC000  }
0xef: {  	[spmem:s2] =	stream.indirect.scatter.add.f32 [tilespmem:s20], [sflag:$0x1], $0x80, s19, s19, $0xb8;
	[tilespmem:$0x1C100] =	vst v63  }
0xf0: {  	_ =	swait.ge [sflag:s18], $0x4000  }
0xf1: {  	s30 =	smov.u32 s31;
	[sflag:s18] =	ssyncset.done $0x0  }
0xf2: {  	s0 =	sadd.s32 s29, s24;
	[sflag:s18] =	ssyncadd.s32 $0xFFFFC000  }
0xf3: {  	[tilespmem:s3], [sflag:$0x1] =	stream.linear.gather [hbm4b:s0+s3], $0x80, $0x38;
	[tilespmem:$0x1C100] =	vst v63  }
0xf4: {  	_ =	swait.ge [sflag:s18], $0x80  }
0xf5: {  	[sflag:s18] =	ssyncset.done $0x0  }
0xf6: {  	s31 =	sadd.s32 s29, s16;
	[sflag:s18] =	ssyncadd.s32 $0xFFFFFF80  }
0xf7: {  	[tilespmem:s19], [sflag:$0x1] =	stream.linear.gather [hbm4b:s31+s3], $0x80, $0x38;
	[tilespmem:$0x1C100] =	vst v63  }
0xf8: {  	_ =	swait.ge [sflag:s18], $0x80  }
0xf9: {  	[sflag:s18] =	ssyncset.done $0x0  }
0xfa: {  	[sflag:s18] =	ssyncadd.s32 $0xFFFFFF80  }
0xfb: {  	[tilespmem:s20], [sflag:$0x1] =	stream.indirect.gather [hbm4b:s5+s19], $0x80, s3, s19, $0xb8;
	[tilespmem:$0x1C100] =	vst v63  }
0xfc: {  	_ =	swait.ge [sflag:s18], $0x4000  }
0xfd: {  	[sflag:s18] =	ssyncset.done $0x0  }
0xfe: {  	[sflag:s18] =	ssyncadd.s32 $0xFFFFC000  }
0xff: {  	[spmem:s2] =	stream.indirect.scatter.add.f32 [tilespmem:s20], [sflag:$0x1], $0x80, s19, s19, $0xb8;
	[tilespmem:$0x1C100] =	vst v63  }
0x100: {  	_ =	swait.ge [sflag:s18], $0x4000  }
0x101: {  	[sflag:s18] =	ssyncset.done $0x0  }
0x102: {  	s25 =	sadd.s32 $0x1, s25;
	[sflag:s18] =	ssyncadd.s32 $0xFFFFC000  }
0x103: {  	p0 =	sne.s32 s25, s11;
	[bflag:$0x0] =	sbarrier.arrive $0xFFFF  }
0x104: {  	[hbm:s10@s21], [sflag:s26] =	dma.strided [spmem:s28@s22], $0x2800, s18, $0x10   }
.Ltmp4:
0x105: {  	_ =	swait.ge [sflag:s18], $0x2800;
	(pc) =	sbr.rel @p0 .LBB2_1-.Ltmp4, $3  }
0x106: {  	[sflag:s18] =	ssyncset.done $0x0  }
0x107: {  	[sflag:s18] =	ssyncadd.s32 $0xFFFFD800  }
0x108: {  	[bflag:$0x0] =	sbarrier.arrive $0xFFFF;
	_ =	sdelay $0x1  }
0x109: {  	_ =	sfence.sel $0x180000  }
0x10a: {  	[bflag:$0x0] =	sbarrier.arrive $0xFFFF  }
0x10b: {  	_ =	strace $0x90000047  }
0x10c: {  	s0 =	stileid.u32;
	[bflag:$0x2] =	sbarrier.arrive $0xFFFF  }
0x10d: {  	p0 =	sne.s32 s0, $0x0;
	s0 =	rddreg [dreg:$0x2]  }
0x10e: {  	s0 =	sadd.s32 @!p0 $0x100000, s0  }
0x10f: {  	[sflag:s0] =	ssyncadd.tile.s32 @!p0 $0x1;
	_ =	shalt  }
.Lfunc_end2:
_tile_overlayer_lowered:
.L_overlay_start_2:
0x110: {  	(tag) =	ssettag $0x2  }
0x111: {  	s0 =	rddreg [dreg:$0x0];
	s2 =	stileid.u32  }
0x112: {  	s1 =	rddreg [dreg:$0x1];
	p0 =	sne.s32 s2, $0x0  }
0x113: {  	s3 =	rddreg [dreg:$0x2];
	[bflag:$0x3] =	sbarrier.arrive $0xFFFF;
	s2 =	simm.s32 @!p0 $0x1C01  }
0x114: {  	[timem:s3], [sflag:s2] =	dma.local @!p0 [hbm:s0], s1  }
0x115: {  	s0 =	simm.s32 @!p0 $0x1  }
0x116: {  	_ =	swait.ge @!p0 [sflag:s0], s1  }
0x117: {  	s1 =	ssub.s32 @!p0 $0x0, s1;
	[sflag:s0] =	ssyncset.done @!p0 $0x0  }
0x118: {  	[sflag:s0] =	ssyncadd.s32 @!p0 s1  }
0x119: {  	[bflag:$0x3] =	sbarrier.arrive $0xFFFF  }
0x11a: {  	_ =	shalt  }

// kernel: kernel.9.cloned.1.call-start
scs
__scs_entry_jumppad:
0x0: {  	(pc) =	sbr.rel $0x88, $3  }
0x1: {  	(tag) =	ssettag $0x0;
	lr =	simm.s32 $0x1  }
0x2: {  	[smem:$0x3F8C] =	sst lr;
	_ =	strace $0xD0000000  }
0x3: {  	_ = 	snop  }
0x4: {  	_ = 	snop  }
0x5: {  	_ = 	snop  }
0x6: {  	_ = 	snop  }
0x7: {  	_ = 	snop  }
__scs_overlays_trampoline_lowered:
0x8: {  	[smem:$0x3F9B] =	sst s0  }
0x9: {  	[smem:$0x3F9C] =	sst s1  }
0xa: {  	[smem:$0x3F9D] =	sst s2  }
0xb: {  	[smem:$0x3F9E] =	sst s3  }
0xc: {  	[smem:$0x3F9F] =	sst s4  }
0xd: {  	[smem:$0x3FA0] =	sst s5  }
0xe: {  	[smem:$0x3FA1] =	sst s6  }
0xf: {  	[smem:$0x3FA2] =	sst s7  }
0x10: {  	[smem:$0x3FA3] =	sst s8  }
0x11: {  	[smem:$0x3FA4] =	sst s9;
	s0 =	simm.s32 @!p0 $0x0  }
0x12: {  	s1 =	sld [smem:$0x3F8A];
	s0 =	simm.s32 @p0 $0x1  }
0x13: {  	[smem:$0x3FA5] =	sst s0;
	s0 =	simm.s32 @!p1 $0x0  }
0x14: {  	s2 =	sld [smem:$0x3F89];
	s0 =	simm.s32 @p1 $0x1  }
0x15: {  	[smem:$0x3FA6] =	sst s0;
	s0 =	simm.s32 @!p2 $0x0  }
0x16: {  	s3 =	sld [smem:$0x3FDB];
	s0 =	simm.s32 @p2 $0x1  }
0x17: {  	s4 =	simm.s32 $0x1BF5;
	[smem:$0x3FA8] =	sst s0  }
0x18: {  	s0 =	sld [smem:$0x3F8B];
	_ =	swait.ge [sflag:s4], $0x0  }
0x19: {  	s7 =	sld [smem:$0x3F8C]  }
0x1a: {  	s8 =	sadd.s32 $0xFFFFE003, lr  }
0x1b: {  	s9 =	sadd.s32 $0xFFFFFEF7, lr;
	s5 =	simm.s32 $0xFFFFFFFF;
	p2 =	slt.u32 s8, $0xFFFFF086  }
0x1c: {  	p1 =	slt.u32 s9, $0xF7A;
	s5 =	simm.s32 @!p2 $0x0  }
0x1d: {  	s5 =	simm.s32 @p1 $0x1;
	p0 =	seq.s32 s7, s2  }
0x1e: {  	s7 =	smul.u32 @!p0 $0xF7A, s2;
	p2 =	seq.s32 @!p0 s5, $0x0  }
0x1f: {  	s9 =	smul.u32 $0xF7A, s1;
	s8 =	simm.s32 @!p0 $0x1BF5;
	p2 =	por !p2, p0  }
0x20: {  	[sflag:s8] =	ssyncset.s32 @!p0 $0xFFFFF086;
	s6 =	sadd.s32 @!p0 s3, s7;
	s7 =	simm.s32 @!p0 $0x108  }
0x21: {  	s3 =	sadd.s32 s3, s9;
	s6 =	sadd.s32 @!p0 $0x88, s6;
	s7 =	simm.s32 @p2 $0x1082  }
0x22: {  	[simem:s7], [sflag:s8] =	dma.local @!p0 [hbm:s6], $0xF7A  }
0x23: {  	s9 =	sor.u32 $0xD0000000, s2;
	s6 =	simm.s32 $0x108;
	_ =	swait.ge @!p0 [sflag:s8], $0x0  }
0x24: {  	s3 =	sadd.s32 $0x88, s3;
	s6 =	simm.s32 @!p1 $0x1082;
	[sflag:s4] =	ssyncset.s32 $0xFFFFF086  }
0x25: {  	[simem:s6], [sflag:s4] =	dma.local [hbm:s3], $0xF7A  }
0x26: {  	[smem:$0x3F8C] =	sst s1;
	(tag) =	ssettag s2;
	_ =	strace s9  }
0x27: {  	s1 =	sld [smem:$0x3F9C]  }
0x28: {  	s2 =	sld [smem:$0x3F9D]  }
0x29: {  	s4 =	sld [smem:$0x3F9F]  }
0x2a: {  	p0 =	seq.s32 s5, $0x0;
	s5 =	sld [smem:$0x3FA0]  }
0x2b: {  	s6 =	sld [smem:$0x3FA1]  }
0x2c: {  	s7 =	sld [smem:$0x3FA2]  }
0x2d: {  	s3 =	simm.s32 $0x108;
	s8 =	sld [smem:$0x3FA3]  }
0x2e: {  	s3 =	simm.s32 @!p0 $0x1082;
	s9 =	sld [smem:$0x3FA4]  }
0x2f: {  	lr =	sadd.s32 s0, s3;
	s0 =	sld [smem:$0x3F9B]  }
0x30: {  	s3 =	sld [smem:$0x3F9E]  }
0x31: {  	[smem:$0x3FA7] =	sst s10  }
0x32: {  	s10 =	sld [smem:$0x3FA5];
	_ =	sdelay $0x3  }
0x33: {  	p0 =	seq.s32 s10, $0x1;
	s10 =	sld [smem:$0x3FA7];
	_ =	sdelay $0x3  }
0x34: {  	[smem:$0x3FA7] =	sst s10  }
0x35: {  	s10 =	sld [smem:$0x3FA6];
	_ =	sdelay $0x3  }
0x36: {  	p1 =	seq.s32 s10, $0x1;
	s10 =	sld [smem:$0x3FA7];
	_ =	sdelay $0x3  }
0x37: {  	[smem:$0x3FA7] =	sst s10  }
0x38: {  	s10 =	sld [smem:$0x3FA8]  }
0x39: {  	_ = 	snop;
	(pc) =	sbr.ind lr, $3  }
0x3a: {  	_ = 	snop  }
0x3b: {  	_ = 	snop  }
0x3c: {  	p2 =	seq.s32 s10, $0x1;
	s10 =	sld [smem:$0x3FA7]  }
0x3d: {  	_ =	shalt  }
0x3e: {  	_ =	shalt  }
0x3f: {  	_ =	shalt  }
0x40: {  	_ =	shalt  }
0x41: {  	_ =	shalt  }
0x42: {  	_ =	shalt  }
0x43: {  	_ =	shalt  }
0x44: {  	_ =	shalt  }
0x45: {  	_ =	shalt  }
0x46: {  	_ =	shalt  }
0x47: {  	_ =	shalt  }
0x48: {  	_ =	shalt  }
0x49: {  	_ =	shalt  }
0x4a: {  	_ =	shalt  }
0x4b: {  	_ =	shalt  }
0x4c: {  	_ =	shalt  }
0x4d: {  	_ =	shalt  }
0x4e: {  	_ =	shalt  }
0x4f: {  	_ =	shalt  }
0x50: {  	_ =	shalt  }
0x51: {  	_ =	shalt  }
0x52: {  	_ =	shalt  }
0x53: {  	_ =	shalt  }
0x54: {  	_ =	shalt  }
0x55: {  	_ =	shalt  }
0x56: {  	_ =	shalt  }
0x57: {  	_ =	shalt  }
0x58: {  	_ =	shalt  }
0x59: {  	_ =	shalt  }
0x5a: {  	_ =	shalt  }
0x5b: {  	_ =	shalt  }
0x5c: {  	_ =	shalt  }
0x5d: {  	_ =	shalt  }
0x5e: {  	_ =	shalt  }
0x5f: {  	_ =	shalt  }
0x60: {  	_ =	shalt  }
0x61: {  	_ =	shalt  }
0x62: {  	_ =	shalt  }
0x63: {  	_ =	shalt  }
0x64: {  	_ =	shalt  }
0x65: {  	_ =	shalt  }
0x66: {  	_ =	shalt  }
0x67: {  	_ =	shalt  }
0x68: {  	_ =	shalt  }
0x69: {  	_ =	shalt  }
0x6a: {  	_ =	shalt  }
0x6b: {  	_ =	shalt  }
0x6c: {  	_ =	shalt  }
0x6d: {  	_ =	shalt  }
0x6e: {  	_ =	shalt  }
0x6f: {  	_ =	shalt  }
0x70: {  	_ =	shalt  }
0x71: {  	_ =	shalt  }
0x72: {  	_ =	shalt  }
0x73: {  	_ =	shalt  }
0x74: {  	_ =	shalt  }
0x75: {  	_ =	shalt  }
0x76: {  	_ =	shalt  }
0x77: {  	_ =	shalt  }
0x78: {  	_ =	shalt  }
0x79: {  	_ =	shalt  }
0x7a: {  	_ =	shalt  }
0x7b: {  	_ =	shalt  }
0x7c: {  	_ =	shalt  }
0x7d: {  	_ =	shalt  }
0x7e: {  	_ =	shalt  }
0x7f: {  	_ =	shalt  }
0x80: {  	_ =	shalt  }
0x81: {  	_ =	shalt  }
0x82: {  	_ =	shalt  }
0x83: {  	_ =	shalt  }
0x84: {  	_ =	shalt  }
0x85: {  	_ =	shalt  }
0x86: {  	_ =	shalt  }
0x87: {  	_ =	shalt  }
.Lfunc_end0:
.L_simem_size_0:
called_computation.1_lowered:
.L_overlay_start_0:
0x88: {  	s2 =	sld [smem:$0x3FD9]  }
0x89: {  	s3 =	sld [smem:$0x3FFE];
	_ =	sdelay $0x1  }
0x8a: {  	s1 =	srdreg.scid  }
0x8b: {  	s0 =	sand.u32 $0x1, s1  }
0x8c: {  	s16 =	sshll.u32 s0, $0xA;
	s2 =	sadd.s32 s3, s2  }
0x8d: {  	s2 =	sadd.s32 s2, s16  }
0x8e: {  	[smem:$0x3FB3] =	sst s2  }
0x8f: {  	_ = 	snop  }
0x90: {  	(tm) =	ssettm $0x1  }
0x91: {  	s17 =	sld [smem:$0x3FFB];
	_ =	sdelay $0x3  }
0x92: {  	_ =	strace s17  }
0x93: {  	s2 =	sld [smem:$0x3FFC];
	_ =	sdelay $0x3  }
0x94: {  	_ =	strace s2  }
0x95: {  	s2 =	sld [smem:$0x3FFD];
	_ =	sdelay $0x3  }
0x96: {  	_ =	strace s2  }
0x97: {  	_ =	strace $0x8FFFFFFF  }
0x98: {  	s18 =	sld [smem:$0x3FDB];
	_ =	sdelay $0x1  }
0x99: {  	s19 =	simm.s32 $_scs_section_size  }
0x9a: {  	s4 =	simm.s32 $_size__tile_overlayer_lowered;
	s5 =	simm.s32 $_tile_overlayer_lowered  }
0x9b: {  	s22 =	simm.s32 $0x1BFF;
	s21 =	sshll.u32 s5, $0x1;
	s2 =	sadd.s32 s19, s18  }
0x9c: {  	s6 =	simm.s32 $0x0;
	s20 =	sshll.u32 s4, $0x1;
	s4 =	sadd.s32 s21, s2  }
0x9d: {  	[timem:s6], [sflag:s22] =	dma.local [hbm:s4], s20  }
0x9e: {  	_ =	swait.ge [sflag:s22], s20  }
0x9f: {  	s3 =	ssub.s32 $0x0, s20;
	[sflag:s22] =	ssyncset.done $0x0  }
0xa0: {  	[sflag:s22] =	ssyncadd.s32 s3;
	_ =	sdelay $0x1  }
0xa1: {  	s23 =	simm.s32 $0x1B8B  }
0xa2: {  	_ =	swait.ge [sflag:s23], $0x1  }
0xa3: {  	[sflag:s23] =	ssyncset.done $0x0  }
0xa4: {  	s25 =	simm.s32 $0x1B8E;
	s24 =	sld [smem:$0x3FFE];
	[sflag:s23] =	ssyncadd.s32 $0xFFFFFFFF  }
0xa5: {  	s26 =	simm.s32 $execute0_lowered;
	[smem:$0x3FD2] =	sst s25  }
0xa6: {  	s4 =	sshll.u32 s26, $0x1;
	_ =	strace $0x80000049;
	[dreg:$0x1] =	wrdreg $0xFFFFFFFF  }
0xa7: {  	s28 =	simm.s32 $_size_execute0_lowered;
	s2 =	sadd.s32 s2, s4;
	[dreg:$0x0] =	wrdreg $0x0  }
0xa8: {  	s4 =	sshll.u32 s28, $0x1;
	[dreg:$0x2] =	wrdreg s2  }
0xa9: {  	[dreg:$0x3] =	wrdreg s4  }
0xaa: {  	[dreg:$0x4] =	wrdreg $0xC0  }
0xab: {  	_ =	task [dreg:s6], $0x5FFFF  }
0xac: {  	[dreg:$0x1] =	wrdreg $0xFFFFFFFF  }
0xad: {  	[dreg:$0x0] =	wrdreg $0x60  }
0xae: {  	[dreg:$0x2] =	wrdreg s24  }
0xaf: {  	[dreg:$0x3] =	wrdreg $0x21000  }
0xb0: {  	[dreg:$0x4] =	wrdreg $0x9  }
0xb1: {  	_ =	task.clear_ibuf [dreg:s6], $0x5FFFF;
	_ =	strace $0x90000049  }
0xb2: {  	s29 =	simm.s32 $0x9;
	_ =	strace $0x8000004B  }
0xb3: {  	_ =	swait.ge [sflag:s29], $0x1  }
0xb4: {  	[sflag:s29] =	ssyncadd.s32 $0xFFFFFFFF  }
0xb5: {  	_ =	strace $0x9000004B  }
0xb6: {  	_ =	sfence  }
0xb7: {  	s30 =	sld [smem:$0x0];
	_ =	sdelay $0x2  }
0xb8: {  	s31 =	sshll.u32 s1, $0xD;
	s1 =	sshrl.u32 s1, $0x2  }
0xb9: {  	s3 =	sand.u32 $0x4000, s31;
	s1 =	sadd.s32 s1, s30  }
0xba: {  	s0 =	sor.u32 s3, s0;
	s1 =	sshll.u32 s1, $0x11  }
0xbb: {  	s0 =	sor.u32 s1, s0  }
0xbc: {  	s0 =	sadd.s32 $0x8F2B, s0  }
0xbd: {  	[sflag:s0] =	ssyncadd.remote.s32 $0x1  }
0xbe: {  	_ =	sfence.sel $0xFFFF  }
0xbf: {  	[dreg:$0x0] =	wrdreg $0xFFFFFFFF;
	(pc) =	sbr.abs _section_cstart, $3  }
0xc0: {  	[dreg:$0x1] =	wrdreg $0xFFFFFFFF  }
0xc1: {  	_ =	task.clear_ibuf [dreg:s6], $0x2FFFF;
	_ =	strace $0x9FFFFFFF  }
0xc2: {  	(tm) =	ssettm $0x7FFFFFFF  }
0xc3: {  	_ =	shalt  }
tec
execute0_lowered:
.L_overlay_start_1:
0x0: {  	(tag) =	ssettag $0x1  }
0x1: {  	s5 =	rddreg [dreg:$0x0]  }
0x2: {  	s1 =	rddreg [dreg:$0x1]  }
0x3: {  	s0 =	rddreg [dreg:$0x2];
	s2 =	simm.s32 $0x0;
	s3 =	srdreg.scid  }
0x4: {  	s13 =	simm.s32 $0x1100;
	s14 =	simm.s32 $0x1;
	s17 =	simm.s32 $0x100  }
0x5: {  	s20 =	simm.s32 $0x8;
	s21 =	simm.s32 $0x4;
	s6 =	sand.u32 $0x1, s3  }
0x6: {  	s22 =	simm.s32 $0x0;
	s3 =	stileid.u32;
	s7 =	smul.u32 $0x4F00, s6  }
0x7: {  	[smem:$0x7FF] =	sst s2;
	s4 =	sadd.s32 $0x10F800, s5;
	s8 =	smul.u32 $0xA000, s3  }
0x8: {  	_ =	strace $0x8000004A;
	s15 =	smul.u32 $0x4F0, s3;
	s9 =	sshll.u32 s6, $0x5  }
0x9: {  	s30 =	smul.u32 $0x14000, s3;
	s6 =	ssub.s32 $0x2, s6;
	s18 =	sshll.u32 s3, $0x6  }
0xa: {  	s31 =	sshrl.u32 s6, $0x1;
	s18 =	sor.u32 $0x1C01, s18;
	s7 =	sadd.s32 s7, s5  }
0xb: {  	s8 =	sor.u32 s9, s8;
	s12 =	sadd.s32 s15, s5;
	s9 =	sshrl.u32 s30, $0x2  }
0xc: {  	s10 =	ssub.s32 s6, s31;
	s8 =	sshrl.u32 s8, $0x3;
	s16 =	sadd.s32 $0x1FF800, s7  }
0xd: {  	s7 =	smax.u32 s10, $0x1;
	s12 =	sadd.s32 $0x10A800, s12;
	s8 =	sadd.s32 s8, s5  }
0xe: {  	s5 =	sadd.s32 s9, s1;
	s15 =	sadd.s32 s16, s15;
	s16 =	simm.s32 $0x80  }
0xf: {  	s6 =	sadd.s32 $0x123800, s8;
	s8 =	sadd.s32 $0x1000, s5;
	s9 =	sadd.s32 $0x2000, s5  }
0x10: {  	v0 =	vimm.f32 $0.0e+00;
	s10 =	sadd.s32 $0x3000, s5;
	s11 =	sadd.s32 $0x4000, s5;
	s19 =	sshrl.u32 s5, $0x3  }
.LBB2_1:
0x11: {  	s23 =	simm.s32 $0x80;
	s24 =	simm.s32 $0x0  }
.LBB2_2:
0x12: {  	p0 =	sne.s32 s23, $0x3F80;
	[tilespmem:s24+$0x1100] =	vst v0;
	s25 =	smov.u32 s23;
	s23 =	sadd.s32 $0x80, s23  }
.Ltmp0:
0x13: {  	[tilespmem:s24+$0x1110] =	vst v0;
	(pc) =	sbr.rel @p0 .LBB2_2-.Ltmp0, $2  }
0x14: {  	_ =	sdelay $0x2  }
0x15: {  	s24 =	sshra.s32 s25, $0x2  }
0x16: {  	[tilespmem:s24+$0x1100] =	vst v0  }
0x17: {  	[tilespmem:s24+$0x1110] =	vst v0  }
0x18: {  	[spmem:s5] =	stream.linear.scatter [tilespmem:s13], [sflag:$0x1], $0x1000, $0x38;
	[tilespmem:$0x7100] =	vst v63  }
0x19: {  	_ =	swait.ge [sflag:s14], $0x1000  }
0x1a: {  	[sflag:s14] =	ssyncset.done $0x0  }
0x1b: {  	[sflag:s14] =	ssyncadd.s32 $0xFFFFF000  }
0x1c: {  	[spmem:s8] =	stream.linear.scatter [tilespmem:s13], [sflag:$0x1], $0x1000, $0x38;
	[tilespmem:$0x7100] =	vst v63  }
0x1d: {  	_ =	swait.ge [sflag:s14], $0x1000  }
0x1e: {  	[sflag:s14] =	ssyncset.done $0x0  }
0x1f: {  	[sflag:s14] =	ssyncadd.s32 $0xFFFFF000  }
0x20: {  	[spmem:s9] =	stream.linear.scatter [tilespmem:s13], [sflag:$0x1], $0x1000, $0x38;
	[tilespmem:$0x7100] =	vst v63  }
0x21: {  	_ =	swait.ge [sflag:s14], $0x1000  }
0x22: {  	[sflag:s14] =	ssyncset.done $0x0  }
0x23: {  	[sflag:s14] =	ssyncadd.s32 $0xFFFFF000  }
0x24: {  	[spmem:s10] =	stream.linear.scatter [tilespmem:s13], [sflag:$0x1], $0x1000, $0x38;
	[tilespmem:$0x7100] =	vst v63  }
0x25: {  	_ =	swait.ge [sflag:s14], $0x1000  }
0x26: {  	[sflag:s14] =	ssyncset.done $0x0  }
0x27: {  	[sflag:s14] =	ssyncadd.s32 $0xFFFFF000  }
0x28: {  	[spmem:s11] =	stream.linear.scatter [tilespmem:s13], [sflag:$0x1], $0x1000, $0x38;
	[tilespmem:$0x7100] =	vst v63  }
0x29: {  	_ =	swait.ge [sflag:s14], $0x1000  }
0x2a: {  	[sflag:s14] =	ssyncset.done $0x0  }
0x2b: {  	[sflag:s14] =	ssyncadd.s32 $0xFFFFF000  }
0x2c: {  	s23 =	sadd.s32 $0x0, s15;
	[bflag:$0x0] =	sbarrier.arrive $0xFFFF  }
0x2d: {  	[tilespmem:s2], [sflag:$0x1] =	stream.linear.gather [hbm4b:s23+s2], $0x80, $0x38;
	[tilespmem:$0x7100] =	vst v63  }
0x2e: {  	_ =	swait.ge [sflag:s14], $0x80  }
0x2f: {  	[sflag:s14] =	ssyncset.done $0x0  }
0x30: {  	s31 =	sadd.s32 $0x0, s12;
	[sflag:s14] =	ssyncadd.s32 $0xFFFFFF80  }
0x31: {  	[tilespmem:s16], [sflag:$0x1] =	stream.linear.gather [hbm4b:s31+s2], $0x80, $0x38;
	[tilespmem:$0x7100] =	vst v63  }
0x32: {  	_ =	swait.ge [sflag:s14], $0x80  }
0x33: {  	[sflag:s14] =	ssyncset.done $0x0  }
0x34: {  	[sflag:s14] =	ssyncadd.s32 $0xFFFFFF80  }
0x35: {  	[tilespmem:s17], [sflag:$0x1] =	stream.indirect.gather [hbm4b:s4+s16], $0x20, s2, s16, $0xb8;
	[tilespmem:$0x7100] =	vst v63  }
0x36: {  	_ =	swait.ge [sflag:s14], $0x1000  }
0x37: {  	[sflag:s14] =	ssyncset.done $0x0  }
0x38: {  	[sflag:s14] =	ssyncadd.s32 $0xFFFFF000  }
0x39: {  	[spmem:s1] =	stream.indirect.scatter.add.f32 [tilespmem:s17], [sflag:$0x1], $0x20, s16, s16, $0xb8;
	[tilespmem:$0x7100] =	vst v63  }
0x3a: {  	_ =	swait.ge [sflag:s14], $0x1000  }
0x3b: {  	s24 =	simm.s32 $0x20;
	s23 =	simm.s32 $0x10;
	[sflag:s14] =	ssyncset.done $0x0  }
.LBB2_4:
0x3c: {  	s25 =	sadd.s32 s23, s15  }
0x3d: {  	[sflag:s14] =	ssyncadd.s32 $0xFFFFF000;
	s26 =	smov.u32 s24;
	s28 =	sadd.s32 $0x10, s24  }
0x3e: {  	[tilespmem:s2], [sflag:$0x1] =	stream.linear.gather [hbm4b:s25+s2], $0x80, $0x38;
	[tilespmem:$0x7100] =	vst v63  }
0x3f: {  	p0 =	sne.s32 s24, $0x4E0;
	_ =	swait.ge [sflag:s14], $0x80  }
0x40: {  	[sflag:s14] =	ssyncset.done $0x0  }
0x41: {  	s24 =	sadd.s32 s23, s12;
	s23 =	smov.u32 s26;
	[sflag:s14] =	ssyncadd.s32 $0xFFFFFF80  }
0x42: {  	[tilespmem:s16], [sflag:$0x1] =	stream.linear.gather [hbm4b:s24+s2], $0x80, $0x38;
	[tilespmem:$0x7100] =	vst v63  }
0x43: {  	_ =	swait.ge [sflag:s14], $0x80  }
0x44: {  	[sflag:s14] =	ssyncset.done $0x0  }
0x45: {  	[sflag:s14] =	ssyncadd.s32 $0xFFFFFF80  }
0x46: {  	[tilespmem:s17], [sflag:$0x1] =	stream.indirect.gather [hbm4b:s4+s16], $0x20, s2, s16, $0xb8;
	[tilespmem:$0x7100] =	vst v63  }
0x47: {  	_ =	swait.ge [sflag:s14], $0x1000  }
.Ltmp1:
0x48: {  	[sflag:s14] =	ssyncset.done $0x0;
	(pc) =	sbr.rel @p0 .LBB2_4-.Ltmp1, $4  }
0x49: {  	[sflag:s14] =	ssyncadd.s32 $0xFFFFF000  }
0x4a: {  	[spmem:s1] =	stream.indirect.scatter.add.f32 [tilespmem:s17], [sflag:$0x1], $0x20, s16, s16, $0xb8;
	[tilespmem:$0x7100] =	vst v63  }
0x4b: {  	_ =	swait.ge [sflag:s14], $0x1000  }
0x4c: {  	s24 =	smov.u32 s28;
	[sflag:s14] =	ssyncset.done $0x0  }
0x4d: {  	s24 =	sadd.s32 s23, s15;
	[sflag:s14] =	ssyncadd.s32 $0xFFFFF000  }
0x4e: {  	[tilespmem:s2], [sflag:$0x1] =	stream.linear.gather [hbm4b:s24+s2], $0x80, $0x38;
	[tilespmem:$0x7100] =	vst v63  }
0x4f: {  	_ =	swait.ge [sflag:s14], $0x80  }
0x50: {  	[sflag:s14] =	ssyncset.done $0x0  }
0x51: {  	s31 =	sadd.s32 s23, s12;
	[sflag:s14] =	ssyncadd.s32 $0xFFFFFF80  }
0x52: {  	[tilespmem:s16], [sflag:$0x1] =	stream.linear.gather [hbm4b:s31+s2], $0x80, $0x38;
	[tilespmem:$0x7100] =	vst v63  }
0x53: {  	_ =	swait.ge [sflag:s14], $0x80  }
0x54: {  	[sflag:s14] =	ssyncset.done $0x0  }
0x55: {  	[sflag:s14] =	ssyncadd.s32 $0xFFFFFF80  }
0x56: {  	[tilespmem:s17], [sflag:$0x1] =	stream.indirect.gather [hbm4b:s4+s16], $0x20, s2, s16, $0xb8;
	[tilespmem:$0x7100] =	vst v63  }
0x57: {  	_ =	swait.ge [sflag:s14], $0x1000  }
0x58: {  	[sflag:s14] =	ssyncset.done $0x0  }
0x59: {  	[sflag:s14] =	ssyncadd.s32 $0xFFFFF000  }
0x5a: {  	[spmem:s1] =	stream.indirect.scatter.add.f32 [tilespmem:s17], [sflag:$0x1], $0x20, s16, s16, $0xb8;
	[tilespmem:$0x7100] =	vst v63  }
0x5b: {  	_ =	swait.ge [sflag:s14], $0x1000  }
0x5c: {  	[sflag:s14] =	ssyncset.done $0x0  }
0x5d: {  	s22 =	sadd.s32 $0x1, s22;
	[sflag:s14] =	ssyncadd.s32 $0xFFFFF000  }
0x5e: {  	p0 =	sne.s32 s22, s7;
	[bflag:$0x0] =	sbarrier.arrive $0xFFFF  }
0x5f: {  	[hbm:s6@s20], [sflag:s18] =	dma.strided [spmem:s19@s21], $0xA00, s14, $0x4   }
.Ltmp2:
0x60: {  	_ =	swait.ge [sflag:s14], $0xA00;
	(pc) =	sbr.rel @p0 .LBB2_1-.Ltmp2, $3  }
0x61: {  	[sflag:s14] =	ssyncset.done $0x0  }
0x62: {  	[sflag:s14] =	ssyncadd.s32 $0xFFFFF600  }
0x63: {  	[bflag:$0x0] =	sbarrier.arrive $0xFFFF;
	_ =	sdelay $0x1  }
0x64: {  	_ =	sfence.sel $0x180000  }
0x65: {  	[bflag:$0x0] =	sbarrier.arrive $0xFFFF  }
0x66: {  	p0 =	sne.s32 s3, $0x0;
	_ =	strace $0x9000004A  }
0x67: {  	s0 =	sadd.s32 @!p0 $0x100000, s0;
	[bflag:$0x2] =	sbarrier.arrive $0xFFFF  }
0x68: {  	[sflag:s0] =	ssyncadd.tile.s32 @!p0 $0x1;
	_ =	shalt  }
.Lfunc_end2:
_tile_overlayer_lowered:
.L_overlay_start_2:
0x69: {  	(tag) =	ssettag $0x2  }
0x6a: {  	s0 =	rddreg [dreg:$0x0];
	s2 =	stileid.u32  }
0x6b: {  	s1 =	rddreg [dreg:$0x1];
	p0 =	sne.s32 s2, $0x0  }
0x6c: {  	s3 =	rddreg [dreg:$0x2];
	[bflag:$0x3] =	sbarrier.arrive $0xFFFF;
	s2 =	simm.s32 @!p0 $0x1C01  }
0x6d: {  	[timem:s3], [sflag:s2] =	dma.local @!p0 [hbm:s0], s1  }
0x6e: {  	s0 =	simm.s32 @!p0 $0x1  }
0x6f: {  	_ =	swait.ge @!p0 [sflag:s0], s1  }
0x70: {  	s1 =	ssub.s32 @!p0 $0x0, s1;
	[sflag:s0] =	ssyncset.done @!p0 $0x0  }
0x71: {  	[sflag:s0] =	ssyncadd.s32 @!p0 s1  }
0x72: {  	[bflag:$0x3] =	sbarrier.arrive $0xFFFF  }
0x73: {  	_ =	shalt  }

</sc_bundles>
